<compile_context>
chip_gen: v7x
topology: tpu7x:2x2x1
jax: 0.10.2.dev20260603
libtpu: 0.0.44.dev20260713+nightly
codegen_flags: <defaults>
</compile_context>

<pallas_src>
import functools

import jax
import jax.numpy as jnp
import numpy as np
from jax import lax
from jax.experimental import pallas as pl
from jax.experimental.pallas import tpu as pltpu
from jax.experimental.pallas import tpu_sc as plsc

_DATA_STD = np.array([0.229, 0.224, 0.225], dtype=np.float32)
_DATA_SCALING = float(1.0 / _DATA_STD.min())

_B, _C, _D = 256, 1000, 512


def _make_sc_top1_gather():
    info = plsc.get_sparse_core_info()
    NC, NS, L = info.num_cores, info.num_subcores, info.num_lanes
    NW = NC * NS
    bpw = _B // NW

    mesh = plsc.VectorSubcoreMesh(core_axis_name="c", subcore_axis_name="s")

    @functools.partial(
        pl.kernel,
        mesh=mesh,
        out_type=jax.ShapeDtypeStruct((_B, _D), jnp.float32),
        scratch_types=[
            pltpu.VMEM((bpw * _C,), jnp.float32),
            pltpu.VMEM((L,), jnp.int32),
            pltpu.VMEM((bpw, _D), jnp.float32),
            pltpu.SemaphoreType.DMA,
        ],
    )
    def sc_k(pred_hbm, w_hbm, wj_hbm, pred_v, idx_v, rows_v, sem):
        wid = lax.axis_index("s") * NC + lax.axis_index("c")
        base = wid * bpw
        pltpu.sync_copy(pred_hbm.at[pl.ds(base * _C, bpw * _C)], pred_v)

        lanes = lax.broadcasted_iota(jnp.int32, (L,), 0)

        dnums = lax.GatherDimensionNumbers(
            offset_dims=(), collapsed_slice_dims=(0,), start_index_map=(0,))

        def _shuffle(v, perm):
            return lax.gather(v, perm[:, None], dnums, slice_sizes=(1,),
                              mode=lax.GatherScatterMode.PROMISE_IN_BOUNDS)

        def _butterfly(v, op):
            for s in (8, 4, 2, 1):
                perm = jnp.bitwise_xor(lanes, s)
                v = op(v, _shuffle(v, perm))
            return v

        def _merge(a, b):
            va, ia = a
            vb, ib = b
            take_b = (vb > va) | ((vb == va) & (ib < ia))
            return jnp.where(take_b, vb, va), jnp.where(take_b, ib, ia)

        jvec = jnp.zeros((L,), jnp.int32)
        nfull = _C // L
        for r in range(bpw):
            row0 = r * _C
            init = ([jnp.full((L,), -jnp.inf, jnp.float32)] * 4
                    + [jnp.zeros((L,), jnp.int32)] * 4)

            def body(k, carry, row0=row0):
                vm = list(carry[:4])
                vcid = list(carry[4:])
                kbase = k * 4
                for t in range(4):
                    kid = kbase + t
                    v = pred_v[pl.ds(row0 + kid * L, L)]
                    better = v > vm[t]
                    vm[t] = jnp.where(better, v, vm[t])
                    vcid[t] = jnp.where(better, kid, vcid[t])
                return tuple(vm) + tuple(vcid)

            carry = lax.fori_loop(0, nfull // 4, body, tuple(init))
            vm = list(carry[:4])
            vcid = list(carry[4:])
            for t, kid in ((0, nfull - 2), (1, nfull - 1)):
                v = pred_v[pl.ds(row0 + kid * L, L)]
                better = v > vm[t]
                vm[t] = jnp.where(better, v, vm[t])
                vcid[t] = jnp.where(better, jnp.int32(kid), vcid[t])
            acc = [(vm[t], vcid[t] * L + lanes) for t in range(4)]
            vmax, vidx = _merge(_merge(acc[0], acc[1]),
                                _merge(acc[2], acc[3]))
            off = _C - L
            vmax, vidx = _merge((vmax, vidx),
                                (pred_v[pl.ds(row0 + off, L)], lanes + off))

            msv = _butterfly(vmax, jnp.maximum)
            cand = jnp.where(vmax == msv, vidx, jnp.int32(_C))
            jsv = _butterfly(cand, jnp.minimum)
            jvec = jnp.where(lanes == r, jsv, jvec)

        idx_v[...] = jvec
        pltpu.async_copy(w_hbm.at[idx_v.at[pl.ds(0, bpw)]], rows_v, sem).wait()
        pltpu.sync_copy(rows_v, wj_hbm.at[pl.ds(base, bpw)])

    return sc_k


_sc_top1_gather = _make_sc_top1_gather()


def _tc_margin_kernel(pred_ref, w_ref, wj_ref, km_ref, kf_ref, out_ref):
    pred = pred_ref[...]
    W = w_ref[...]
    Wj = wj_ref[...]
    K = km_ref[0] / kf_ref[0] * _DATA_SCALING

    B, C = pred.shape

    rn = lax.rsqrt(jnp.sum(W * W, axis=1, keepdims=True))
    Wn = W * rn
    rj = lax.rsqrt(jnp.sum(Wj * Wj, axis=1, keepdims=True))
    Wjn = Wj * rj

    S = lax.dot_general(Wjn, Wn, (((1,), (1,)), ((), ())),
                        preferred_element_type=jnp.float32)
    dist2 = jnp.maximum(2.0 - 2.0 * S, 0.0)

    m = jnp.max(pred, axis=1, keepdims=True)
    iota = lax.broadcasted_iota(jnp.int32, (B, C), 1)
    j0 = jnp.min(jnp.where(pred == m, iota, C), axis=1, keepdims=True)
    margins = jnp.where(iota == j0, jnp.inf, m - pred)
    ratios = margins * lax.rsqrt(dist2)
    ratio = jnp.min(ratios, axis=1)
    out_ref[0, 0] = jnp.sum(ratio) / (B * K)


def kernel(prediction, target, W, K_model, Kfc):
    del target
    Wj = _sc_top1_gather(prediction.reshape(-1), W)
    out = pl.pallas_call(
        _tc_margin_kernel,
        out_shape=jax.ShapeDtypeStruct((1, 1), jnp.float32),
        in_specs=[
            pl.BlockSpec(memory_space=pltpu.VMEM),
            pl.BlockSpec(memory_space=pltpu.VMEM),
            pl.BlockSpec(memory_space=pltpu.VMEM),
            pl.BlockSpec(memory_space=pltpu.SMEM),
            pl.BlockSpec(memory_space=pltpu.SMEM),
        ],
        out_specs=pl.BlockSpec(memory_space=pltpu.SMEM),
    )(prediction, W, Wj,
      K_model.astype(jnp.float32).reshape(1), Kfc.astype(jnp.float32).reshape(1))
    return out[0, 0]

# --- scband reference (transcript-rebuilt; emitter-appended) ---
"""Pipeline reference for scband-margin-ratio-32676111188446 (READ-ONLY COPY).

The authoritative reference and input builder live on the scoring server;
editing this copy changes nothing except your own understanding.
"""

import jax, jax.numpy as jnp
import numpy as np

DATA_STD = np.array([0.229, 0.224, 0.225], dtype=np.float32)
DATA_SCALING = float(1.0 / DATA_STD.min())


def setup_inputs(seed: int = 0) -> dict:
    key = jax.random.key(seed)
    k1, k2, k3, k4 = jax.random.split(key, 4)
    B, C, D = 256, 1000, 512
    prediction = jax.random.normal(k1, (B, C), dtype=jnp.float32)
    target = jax.random.randint(k2, (B,), 0, C, dtype=jnp.int64) if jax.config.jax_enable_x64 else jax.random.randint(k2, (B,), 0, C, dtype=jnp.int32)
    W = jax.random.normal(k3, (C, D), dtype=jnp.float32) * 0.02
    K_model = jnp.abs(jax.random.normal(k4, (), dtype=jnp.float32)) + 1.0  # model.lipschitz_estimate()
    Kfc = jnp.asarray(1.5, dtype=jnp.float32)                              # fc.estimate() (classifier-layer Lipschitz)
    return {"prediction": prediction, "target": target, "W": W, "K_model": K_model, "Kfc": Kfc}


def reference(prediction, target, W, K_model, Kfc):
    # target is unused by the original forward (kept for signature fidelity).
    # calibrate_outputs=True branch: row-normalize classifier weight
    w_norm = jnp.linalg.norm(W.reshape(W.shape[0], -1), axis=1, keepdims=True)
    Wn = W / w_norm
    K = K_model / Kfc * DATA_SCALING
    y_j, j = jax.lax.top_k(prediction, 2)              # [B,2], [B,2]
    kW = K * Wn                                        # [C,D]
    kW_j = kW[j[:, 0]]                                 # [B,D] gather of top-1 class rows
    kW_ij = kW_j[:, :, None] - kW.T[None, :, :]        # [B,D,C] pairwise weight differences
    Kij = jnp.linalg.norm(kW_ij, axis=1)               # [B,C]
    margins = y_j[:, 0:1] - prediction                 # [B,C]
    B = prediction.shape[0]
    margins = margins.at[jnp.arange(B), j[:, 0]].set(jnp.inf)  # scatter_ overwrite with +inf
    ratios = margins / Kij
    ratio = jnp.min(ratios, axis=1)
    return jnp.mean(ratio)  # reduce == 'mean'

if __name__ == "__main__":
    import jax
    _d = setup_inputs()
    print(jax.jit(kernel)(*tuple(_d.values())))

</pallas_src>

<mosaic_0001>
#map = affine_map<(d0, d1) -> (0)>
#map1 = affine_map<(d0, d1) -> (0, 0)>
module attributes {stable_mosaic.version = 14 : i64} {
  func.func @sc_k(%arg0: i32, %arg1: i32, %arg2: memref<256000xf32, #tpu.memory_space<hbm>>, %arg3: memref<1000x512xf32, #tpu.memory_space<hbm>>, %arg4: memref<256x512xf32, #tpu.memory_space<hbm>>, %arg5: memref<8000xf32, #tpu.memory_space<vmem>>, %arg6: memref<16xi32, #tpu.memory_space<vmem>>, %arg7: memref<8x512xf32, #tpu.memory_space<vmem>>, %arg8: memref<!tpu.dma_semaphore, #tpu.memory_space<semaphore_mem>>) attributes {dimension_semantics = [#tpu.dimension_semantics<core_parallel>, #tpu.dimension_semantics<subcore_parallel>], iteration_bounds = array<i64: 2, 16>, scalar_prefetch = 0 : i64, scratch_operands = 4 : i64, tpu.core_type = #tpu.core_type<sc_vector_subcore>, window_params = [{transform_indices = #map}, {transform_indices = #map1}, {transform_indices = #map1}]} {
    %mul3A = arith.constant 2 : i32
    %mul3A_0 = arith.muli %arg1, %mul3A : i32
    %add3A = arith.addi %mul3A_0, %arg0 : i32
    %mul3A_1 = arith.constant 8 : i32
    %mul3A_2 = arith.muli %add3A, %mul3A_1 : i32
    %mul3A_3 = arith.constant 1000 : i32
    %mul3A_4 = arith.muli %mul3A_2, %mul3A_3 : i32
    "tpu.region"() ({
      %run_scoped3A = tpu.sem_alloc : memref<!tpu.dma_semaphore, #tpu.memory_space<semaphore_mem>>
      %dma_start3A_1124 = tpu.memref_slice %arg2[%mul3A_4] : memref<256000xf32, #tpu.memory_space<hbm>> -> memref<8000xf32, #tpu.memory_space<hbm>>
      %dma_start3A_1125 = tpu.memref_slice %arg2[%mul3A_4] : memref<256000xf32, #tpu.memory_space<hbm>> -> memref<8000xf32, #tpu.memory_space<hbm>>
      tpu.enqueue_dma source(%dma_start3A_1125 : memref<8000xf32, #tpu.memory_space<hbm>>) target(%arg5 : memref<8000xf32, #tpu.memory_space<vmem>>) target_semaphore(%run_scoped3A : memref<!tpu.dma_semaphore, #tpu.memory_space<semaphore_mem>>)
      %dma_wait3A_1126 = tpu.memref_slice %arg2[%mul3A_4] : memref<256000xf32, #tpu.memory_space<hbm>> -> memref<8000xf32, #tpu.memory_space<hbm>>
      %dma_wait3A_1127 = tpu.memref_slice %arg2[%mul3A_4] : memref<256000xf32, #tpu.memory_space<hbm>> -> memref<8000xf32, #tpu.memory_space<hbm>>
      tpu.wait_dma2 semaphore(%run_scoped3A : memref<!tpu.dma_semaphore, #tpu.memory_space<semaphore_mem>>) src(%dma_wait3A_1127 : memref<8000xf32, #tpu.memory_space<hbm>>) dst(%arg5 : memref<8000xf32, #tpu.memory_space<vmem>>)
      tpu.yield
    }) : () -> ()
    %iota3A = tpu.iota {dimensions = array<i32: 0>} : vector<16xi32>
    %broadcast_in_dim3A = arith.constant 0 : i32
    %broadcast_in_dim3A_5 = vector.broadcast %broadcast_in_dim3A : i32 to vector<16xi32>
    %broadcast_in_dim3A_6 = arith.constant 0xFF800000 : f32
    %broadcast_in_dim3A_7 = vector.broadcast %broadcast_in_dim3A_6 : f32 to vector<16xf32>
    %broadcast_in_dim3A_8 = arith.constant 0 : i32
    %broadcast_in_dim3A_9 = vector.broadcast %broadcast_in_dim3A_8 : i32 to vector<16xi32>
    %scan3A = arith.constant 0 : i32
    %scan3A_10 = arith.constant 15 : i32
    %scan3A_11 = arith.addi %scan3A, %scan3A_10 : i32
    %scan3A_12 = arith.constant 1 : i32
    %scan3A_13:8 = scf.for %scan3A_1124 = %scan3A to %scan3A_11 step %scan3A_12 iter_args(%scan3A_1125 = %broadcast_in_dim3A_7, %scan3A_1126 = %broadcast_in_dim3A_7, %scan3A_1127 = %broadcast_in_dim3A_7, %scan3A_1128 = %broadcast_in_dim3A_7, %scan3A_1129 = %broadcast_in_dim3A_9, %scan3A_1130 = %broadcast_in_dim3A_9, %scan3A_1131 = %broadcast_in_dim3A_9, %scan3A_1132 = %broadcast_in_dim3A_9) -> (vector<16xf32>, vector<16xf32>, vector<16xf32>, vector<16xf32>, vector<16xi32>, vector<16xi32>, vector<16xi32>, vector<16xi32>)  : i32 {
      %mul3A_1133 = arith.constant 4 : i32
      %mul3A_1134 = arith.muli %scan3A_1124, %mul3A_1133 : i32
      %add3A_1135 = arith.constant 0 : i32
      %add3A_1136 = arith.addi %mul3A_1134, %add3A_1135 : i32
      %mul3A_1137 = arith.constant 16 : i32
      %mul3A_1138 = arith.muli %add3A_1136, %mul3A_1137 : i32
      %add3A_1139 = arith.constant 0 : i32
      %add3A_1140 = arith.addi %add3A_1139, %mul3A_1138 : i32
      %get3A_1141 = arith.index_cast %add3A_1140 : i32 to index
      %get3A_1142 = tpu.vector_load %arg5[%get3A_1141] {strides = array<i32>} : memref<8000xf32, #tpu.memory_space<vmem>>, vector<16xf32>,
      %get3A_1143 = vector.shape_cast %get3A_1142 : vector<16xf32> to vector<16xf32>
      %gt3A_1144 = arith.cmpf ogt, %get3A_1143, %scan3A_1125 : vector<16xf32>
      %select_n3A_1145 = arith.select %gt3A_1144, %get3A_1143, %scan3A_1125 : vector<16xi1>, vector<16xf32>
      %broadcast_in_dim3A_1146 = vector.broadcast %add3A_1136 : i32 to vector<16xi32>
      %select_n3A_1147 = arith.select %gt3A_1144, %broadcast_in_dim3A_1146, %scan3A_1129 : vector<16xi1>, vector<16xi32>
      %add3A_1148 = arith.constant 1 : i32
      %add3A_1149 = arith.addi %mul3A_1134, %add3A_1148 : i32
      %mul3A_1150 = arith.constant 16 : i32
      %mul3A_1151 = arith.muli %add3A_1149, %mul3A_1150 : i32
      %add3A_1152 = arith.constant 0 : i32
      %add3A_1153 = arith.addi %add3A_1152, %mul3A_1151 : i32
      %get3A_1154 = arith.index_cast %add3A_1153 : i32 to index
      %get3A_1155 = tpu.vector_load %arg5[%get3A_1154] {strides = array<i32>} : memref<8000xf32, #tpu.memory_space<vmem>>, vector<16xf32>,
      %get3A_1156 = vector.shape_cast %get3A_1155 : vector<16xf32> to vector<16xf32>
      %gt3A_1157 = arith.cmpf ogt, %get3A_1156, %scan3A_1126 : vector<16xf32>
      %select_n3A_1158 = arith.select %gt3A_1157, %get3A_1156, %scan3A_1126 : vector<16xi1>, vector<16xf32>
      %broadcast_in_dim3A_1159 = vector.broadcast %add3A_1149 : i32 to vector<16xi32>
      %select_n3A_1160 = arith.select %gt3A_1157, %broadcast_in_dim3A_1159, %scan3A_1130 : vector<16xi1>, vector<16xi32>
      %add3A_1161 = arith.constant 2 : i32
      %add3A_1162 = arith.addi %mul3A_1134, %add3A_1161 : i32
      %mul3A_1163 = arith.constant 16 : i32
      %mul3A_1164 = arith.muli %add3A_1162, %mul3A_1163 : i32
      %add3A_1165 = arith.constant 0 : i32
      %add3A_1166 = arith.addi %add3A_1165, %mul3A_1164 : i32
      %get3A_1167 = arith.index_cast %add3A_1166 : i32 to index
      %get3A_1168 = tpu.vector_load %arg5[%get3A_1167] {strides = array<i32>} : memref<8000xf32, #tpu.memory_space<vmem>>, vector<16xf32>,
      %get3A_1169 = vector.shape_cast %get3A_1168 : vector<16xf32> to vector<16xf32>
      %gt3A_1170 = arith.cmpf ogt, %get3A_1169, %scan3A_1127 : vector<16xf32>
      %select_n3A_1171 = arith.select %gt3A_1170, %get3A_1169, %scan3A_1127 : vector<16xi1>, vector<16xf32>
      %broadcast_in_dim3A_1172 = vector.broadcast %add3A_1162 : i32 to vector<16xi32>
      %select_n3A_1173 = arith.select %gt3A_1170, %broadcast_in_dim3A_1172, %scan3A_1131 : vector<16xi1>, vector<16xi32>
      %add3A_1174 = arith.constant 3 : i32
      %add3A_1175 = arith.addi %mul3A_1134, %add3A_1174 : i32
      %mul3A_1176 = arith.constant 16 : i32
      %mul3A_1177 = arith.muli %add3A_1175, %mul3A_1176 : i32
      %add3A_1178 = arith.constant 0 : i32
      %add3A_1179 = arith.addi %add3A_1178, %mul3A_1177 : i32
      %get3A_1180 = arith.index_cast %add3A_1179 : i32 to index
      %get3A_1181 = tpu.vector_load %arg5[%get3A_1180] {strides = array<i32>} : memref<8000xf32, #tpu.memory_space<vmem>>, vector<16xf32>,
      %get3A_1182 = vector.shape_cast %get3A_1181 : vector<16xf32> to vector<16xf32>
      %gt3A_1183 = arith.cmpf ogt, %get3A_1182, %scan3A_1128 : vector<16xf32>
      %select_n3A_1184 = arith.select %gt3A_1183, %get3A_1182, %scan3A_1128 : vector<16xi1>, vector<16xf32>
      %broadcast_in_dim3A_1185 = vector.broadcast %add3A_1175 : i32 to vector<16xi32>
      %select_n3A_1186 = arith.select %gt3A_1183, %broadcast_in_dim3A_1185, %scan3A_1132 : vector<16xi1>, vector<16xi32>
      scf.yield %select_n3A_1145, %select_n3A_1158, %select_n3A_1171, %select_n3A_1184, %select_n3A_1147, %select_n3A_1160, %select_n3A_1173, %select_n3A_1186 : vector<16xf32>, vector<16xf32>, vector<16xf32>, vector<16xf32>, vector<16xi32>, vector<16xi32>, vector<16xi32>, vector<16xi32>
    }
    %scan3A_14 = arith.constant 15 : i32
    %get3A = arith.constant 960 : index
    %get3A_15 = tpu.vector_load %arg5[%get3A] {strides = array<i32>} : memref<8000xf32, #tpu.memory_space<vmem>>, vector<16xf32>,
    %get3A_16 = vector.shape_cast %get3A_15 : vector<16xf32> to vector<16xf32>
    %gt3A = arith.cmpf ogt, %get3A_16, %scan3A_13#0 : vector<16xf32>
    %select_n3A = arith.select %gt3A, %get3A_16, %scan3A_13#0 : vector<16xi1>, vector<16xf32>
    %jit3A = arith.constant 60 : i32
    %broadcast_in_dim3A_17 = vector.broadcast %jit3A : i32 to vector<16xi32>
    %select_n3A_18 = arith.select %gt3A, %broadcast_in_dim3A_17, %scan3A_13#4 : vector<16xi1>, vector<16xi32>
    %get3A_19 = arith.constant 976 : index
    %get3A_20 = tpu.vector_load %arg5[%get3A_19] {strides = array<i32>} : memref<8000xf32, #tpu.memory_space<vmem>>, vector<16xf32>,
    %get3A_21 = vector.shape_cast %get3A_20 : vector<16xf32> to vector<16xf32>
    %gt3A_22 = arith.cmpf ogt, %get3A_21, %scan3A_13#1 : vector<16xf32>
    %select_n3A_23 = arith.select %gt3A_22, %get3A_21, %scan3A_13#1 : vector<16xi1>, vector<16xf32>
    %jit3A_24 = arith.constant 61 : i32
    %broadcast_in_dim3A_25 = vector.broadcast %jit3A_24 : i32 to vector<16xi32>
    %select_n3A_26 = arith.select %gt3A_22, %broadcast_in_dim3A_25, %scan3A_13#5 : vector<16xi1>, vector<16xi32>
    %mul3A_27 = arith.constant 16 : i32
    %mul3A_28 = vector.broadcast %mul3A_27 : i32 to vector<16xi32>
    %mul3A_29 = arith.muli %select_n3A_18, %mul3A_28 : vector<16xi32>
    %add3A_30 = arith.addi %mul3A_29, %iota3A : vector<16xi32>
    %mul3A_31 = arith.constant 16 : i32
    %mul3A_32 = vector.broadcast %mul3A_31 : i32 to vector<16xi32>
    %mul3A_33 = arith.muli %select_n3A_26, %mul3A_32 : vector<16xi32>
    %add3A_34 = arith.addi %mul3A_33, %iota3A : vector<16xi32>
    %mul3A_35 = arith.constant 16 : i32
    %mul3A_36 = vector.broadcast %mul3A_35 : i32 to vector<16xi32>
    %mul3A_37 = arith.muli %scan3A_13#6, %mul3A_36 : vector<16xi32>
    %add3A_38 = arith.addi %mul3A_37, %iota3A : vector<16xi32>
    %mul3A_39 = arith.constant 16 : i32
    %mul3A_40 = vector.broadcast %mul3A_39 : i32 to vector<16xi32>
    %mul3A_41 = arith.muli %scan3A_13#7, %mul3A_40 : vector<16xi32>
    %add3A_42 = arith.addi %mul3A_41, %iota3A : vector<16xi32>
    %gt3A_43 = arith.cmpf ogt, %select_n3A_23, %select_n3A : vector<16xf32>
    %eq3A = arith.cmpf oeq, %select_n3A_23, %select_n3A : vector<16xf32>
    %lt3A = arith.cmpi slt, %add3A_34, %add3A_30 : vector<16xi32>
    %and3A = arith.andi %eq3A, %lt3A : vector<16xi1>
    %or3A = arith.ori %gt3A_43, %and3A : vector<16xi1>
    %select_n3A_44 = arith.select %or3A, %select_n3A_23, %select_n3A : vector<16xi1>, vector<16xf32>
    %select_n3A_45 = arith.select %or3A, %add3A_34, %add3A_30 : vector<16xi1>, vector<16xi32>
    %gt3A_46 = arith.cmpf ogt, %scan3A_13#3, %scan3A_13#2 : vector<16xf32>
    %eq3A_47 = arith.cmpf oeq, %scan3A_13#3, %scan3A_13#2 : vector<16xf32>
    %lt3A_48 = arith.cmpi slt, %add3A_42, %add3A_38 : vector<16xi32>
    %and3A_49 = arith.andi %eq3A_47, %lt3A_48 : vector<16xi1>
    %or3A_50 = arith.ori %gt3A_46, %and3A_49 : vector<16xi1>
    %select_n3A_51 = arith.select %or3A_50, %scan3A_13#3, %scan3A_13#2 : vector<16xi1>, vector<16xf32>
    %select_n3A_52 = arith.select %or3A_50, %add3A_42, %add3A_38 : vector<16xi1>, vector<16xi32>
    %gt3A_53 = arith.cmpf ogt, %select_n3A_51, %select_n3A_44 : vector<16xf32>
    %eq3A_54 = arith.cmpf oeq, %select_n3A_51, %select_n3A_44 : vector<16xf32>
    %lt3A_55 = arith.cmpi slt, %select_n3A_52, %select_n3A_45 : vector<16xi32>
    %and3A_56 = arith.andi %eq3A_54, %lt3A_55 : vector<16xi1>
    %or3A_57 = arith.ori %gt3A_53, %and3A_56 : vector<16xi1>
    %select_n3A_58 = arith.select %or3A_57, %select_n3A_51, %select_n3A_44 : vector<16xi1>, vector<16xf32>
    %select_n3A_59 = arith.select %or3A_57, %select_n3A_52, %select_n3A_45 : vector<16xi1>, vector<16xi32>
    %get3A_60 = arith.constant 984 : index
    %get3A_61 = tpu.vector_load %arg5[%get3A_60] {strides = array<i32>} : memref<8000xf32, #tpu.memory_space<vmem>>, vector<16xf32>,
    %get3A_62 = vector.shape_cast %get3A_61 : vector<16xf32> to vector<16xf32>
    %add3A_63 = arith.constant 984 : i32
    %add3A_64 = vector.broadcast %add3A_63 : i32 to vector<16xi32>
    %add3A_65 = arith.addi %iota3A, %add3A_64 : vector<16xi32>
    %gt3A_66 = arith.cmpf ogt, %get3A_62, %select_n3A_58 : vector<16xf32>
    %eq3A_67 = arith.cmpf oeq, %get3A_62, %select_n3A_58 : vector<16xf32>
    %lt3A_68 = arith.cmpi slt, %add3A_65, %select_n3A_59 : vector<16xi32>
    %and3A_69 = arith.andi %eq3A_67, %lt3A_68 : vector<16xi1>
    %or3A_70 = arith.ori %gt3A_66, %and3A_69 : vector<16xi1>
    %select_n3A_71 = arith.select %or3A_70, %get3A_62, %select_n3A_58 : vector<16xi1>, vector<16xf32>
    %select_n3A_72 = arith.select %or3A_70, %add3A_65, %select_n3A_59 : vector<16xi1>, vector<16xi32>
    %xor3A = arith.constant 8 : i32
    %xor3A_73 = vector.broadcast %xor3A : i32 to vector<16xi32>
    %xor3A_74 = arith.xori %iota3A, %xor3A_73 : vector<16xi32>
    %broadcast_in_dim3A_75 = vector.shape_cast %xor3A_74 : vector<16xi32> to vector<16x1xi32>
    %gather3A = vector.shape_cast %broadcast_in_dim3A_75 : vector<16x1xi32> to vector<16xi32>
    %gather3A_76 = tpu.dynamic_gather %select_n3A_71[%gather3A] in [0] : vector<16xf32>, vector<16xi32> -> vector<16xf32>
    %max3A = arith.maximumf %select_n3A_71, %gather3A_76 : vector<16xf32>
    %xor3A_77 = arith.constant 4 : i32
    %xor3A_78 = vector.broadcast %xor3A_77 : i32 to vector<16xi32>
    %xor3A_79 = arith.xori %iota3A, %xor3A_78 : vector<16xi32>
    %broadcast_in_dim3A_80 = vector.shape_cast %xor3A_79 : vector<16xi32> to vector<16x1xi32>
    %gather3A_81 = vector.shape_cast %broadcast_in_dim3A_80 : vector<16x1xi32> to vector<16xi32>
    %gather3A_82 = tpu.dynamic_gather %max3A[%gather3A_81] in [0] : vector<16xf32>, vector<16xi32> -> vector<16xf32>
    %max3A_83 = arith.maximumf %max3A, %gather3A_82 : vector<16xf32>
    %xor3A_84 = arith.constant 2 : i32
    %xor3A_85 = vector.broadcast %xor3A_84 : i32 to vector<16xi32>
    %xor3A_86 = arith.xori %iota3A, %xor3A_85 : vector<16xi32>
    %broadcast_in_dim3A_87 = vector.shape_cast %xor3A_86 : vector<16xi32> to vector<16x1xi32>
    %gather3A_88 = vector.shape_cast %broadcast_in_dim3A_87 : vector<16x1xi32> to vector<16xi32>
    %gather3A_89 = tpu.dynamic_gather %max3A_83[%gather3A_88] in [0] : vector<16xf32>, vector<16xi32> -> vector<16xf32>
    %max3A_90 = arith.maximumf %max3A_83, %gather3A_89 : vector<16xf32>
    %xor3A_91 = arith.constant 1 : i32
    %xor3A_92 = vector.broadcast %xor3A_91 : i32 to vector<16xi32>
    %xor3A_93 = arith.xori %iota3A, %xor3A_92 : vector<16xi32>
    %broadcast_in_dim3A_94 = vector.shape_cast %xor3A_93 : vector<16xi32> to vector<16x1xi32>
    %gather3A_95 = vector.shape_cast %broadcast_in_dim3A_94 : vector<16x1xi32> to vector<16xi32>
    %gather3A_96 = tpu.dynamic_gather %max3A_90[%gather3A_95] in [0] : vector<16xf32>, vector<16xi32> -> vector<16xf32>
    %max3A_97 = arith.maximumf %max3A_90, %gather3A_96 : vector<16xf32>
    %eq3A_98 = arith.cmpf oeq, %select_n3A_71, %max3A_97 : vector<16xf32>
    %jit3A_99 = arith.constant 1000 : i32
    %broadcast_in_dim3A_100 = vector.broadcast %jit3A_99 : i32 to vector<16xi32>
    %select_n3A_101 = arith.select %eq3A_98, %select_n3A_72, %broadcast_in_dim3A_100 : vector<16xi1>, vector<16xi32>
    %xor3A_102 = arith.constant 8 : i32
    %xor3A_103 = vector.broadcast %xor3A_102 : i32 to vector<16xi32>
    %xor3A_104 = arith.xori %iota3A, %xor3A_103 : vector<16xi32>
    %broadcast_in_dim3A_105 = vector.shape_cast %xor3A_104 : vector<16xi32> to vector<16x1xi32>
    %gather3A_106 = vector.shape_cast %broadcast_in_dim3A_105 : vector<16x1xi32> to vector<16xi32>
    %gather3A_107 = tpu.dynamic_gather %select_n3A_101[%gather3A_106] in [0] : vector<16xi32>, vector<16xi32> -> vector<16xi32>
    %min3A = arith.minsi %select_n3A_101, %gather3A_107 : vector<16xi32>
    %xor3A_108 = arith.constant 4 : i32
    %xor3A_109 = vector.broadcast %xor3A_108 : i32 to vector<16xi32>
    %xor3A_110 = arith.xori %iota3A, %xor3A_109 : vector<16xi32>
    %broadcast_in_dim3A_111 = vector.shape_cast %xor3A_110 : vector<16xi32> to vector<16x1xi32>
    %gather3A_112 = vector.shape_cast %broadcast_in_dim3A_111 : vector<16x1xi32> to vector<16xi32>
    %gather3A_113 = tpu.dynamic_gather %min3A[%gather3A_112] in [0] : vector<16xi32>, vector<16xi32> -> vector<16xi32>
    %min3A_114 = arith.minsi %min3A, %gather3A_113 : vector<16xi32>
    %xor3A_115 = arith.constant 2 : i32
    %xor3A_116 = vector.broadcast %xor3A_115 : i32 to vector<16xi32>
    %xor3A_117 = arith.xori %iota3A, %xor3A_116 : vector<16xi32>
    %broadcast_in_dim3A_118 = vector.shape_cast %xor3A_117 : vector<16xi32> to vector<16x1xi32>
    %gather3A_119 = vector.shape_cast %broadcast_in_dim3A_118 : vector<16x1xi32> to vector<16xi32>
    %gather3A_120 = tpu.dynamic_gather %min3A_114[%gather3A_119] in [0] : vector<16xi32>, vector<16xi32> -> vector<16xi32>
    %min3A_121 = arith.minsi %min3A_114, %gather3A_120 : vector<16xi32>
    %xor3A_122 = arith.constant 1 : i32
    %xor3A_123 = vector.broadcast %xor3A_122 : i32 to vector<16xi32>
    %xor3A_124 = arith.xori %iota3A, %xor3A_123 : vector<16xi32>
    %broadcast_in_dim3A_125 = vector.shape_cast %xor3A_124 : vector<16xi32> to vector<16x1xi32>
    %gather3A_126 = vector.shape_cast %broadcast_in_dim3A_125 : vector<16x1xi32> to vector<16xi32>
    %gather3A_127 = tpu.dynamic_gather %min3A_121[%gather3A_126] in [0] : vector<16xi32>, vector<16xi32> -> vector<16xi32>
    %min3A_128 = arith.minsi %min3A_121, %gather3A_127 : vector<16xi32>
    %eq3A_129 = arith.constant 0 : i32
    %eq3A_130 = vector.broadcast %eq3A_129 : i32 to vector<16xi32>
    %eq3A_131 = arith.cmpi eq, %iota3A, %eq3A_130 : vector<16xi32>
    %select_n3A_132 = arith.select %eq3A_131, %min3A_128, %broadcast_in_dim3A_5 : vector<16xi1>, vector<16xi32>
    %broadcast_in_dim3A_133 = arith.constant 0xFF800000 : f32
    %broadcast_in_dim3A_134 = vector.broadcast %broadcast_in_dim3A_133 : f32 to vector<16xf32>
    %broadcast_in_dim3A_135 = arith.constant 0 : i32
    %broadcast_in_dim3A_136 = vector.broadcast %broadcast_in_dim3A_135 : i32 to vector<16xi32>
    %scan3A_137 = arith.constant 0 : i32
    %scan3A_138 = arith.constant 15 : i32
    %scan3A_139 = arith.addi %scan3A_137, %scan3A_138 : i32
    %scan3A_140 = arith.constant 1 : i32
    %scan3A_141:8 = scf.for %scan3A_1124 = %scan3A_137 to %scan3A_139 step %scan3A_140 iter_args(%scan3A_1125 = %broadcast_in_dim3A_134, %scan3A_1126 = %broadcast_in_dim3A_134, %scan3A_1127 = %broadcast_in_dim3A_134, %scan3A_1128 = %broadcast_in_dim3A_134, %scan3A_1129 = %broadcast_in_dim3A_136, %scan3A_1130 = %broadcast_in_dim3A_136, %scan3A_1131 = %broadcast_in_dim3A_136, %scan3A_1132 = %broadcast_in_dim3A_136) -> (vector<16xf32>, vector<16xf32>, vector<16xf32>, vector<16xf32>, vector<16xi32>, vector<16xi32>, vector<16xi32>, vector<16xi32>)  : i32 {
      %mul3A_1133 = arith.constant 4 : i32
      %mul3A_1134 = arith.muli %scan3A_1124, %mul3A_1133 : i32
      %add3A_1135 = arith.constant 0 : i32
      %add3A_1136 = arith.addi %mul3A_1134, %add3A_1135 : i32
      %mul3A_1137 = arith.constant 16 : i32
      %mul3A_1138 = arith.muli %add3A_1136, %mul3A_1137 : i32
      %add3A_1139 = arith.constant 1000 : i32
      %add3A_1140 = arith.addi %add3A_1139, %mul3A_1138 : i32
      %get3A_1141 = arith.index_cast %add3A_1140 : i32 to index
      %get3A_1142 = tpu.vector_load %arg5[%get3A_1141] {strides = array<i32>} : memref<8000xf32, #tpu.memory_space<vmem>>, vector<16xf32>,
      %get3A_1143 = vector.shape_cast %get3A_1142 : vector<16xf32> to vector<16xf32>
      %gt3A_1144 = arith.cmpf ogt, %get3A_1143, %scan3A_1125 : vector<16xf32>
      %select_n3A_1145 = arith.select %gt3A_1144, %get3A_1143, %scan3A_1125 : vector<16xi1>, vector<16xf32>
      %broadcast_in_dim3A_1146 = vector.broadcast %add3A_1136 : i32 to vector<16xi32>
      %select_n3A_1147 = arith.select %gt3A_1144, %broadcast_in_dim3A_1146, %scan3A_1129 : vector<16xi1>, vector<16xi32>
      %add3A_1148 = arith.constant 1 : i32
      %add3A_1149 = arith.addi %mul3A_1134, %add3A_1148 : i32
      %mul3A_1150 = arith.constant 16 : i32
      %mul3A_1151 = arith.muli %add3A_1149, %mul3A_1150 : i32
      %add3A_1152 = arith.constant 1000 : i32
      %add3A_1153 = arith.addi %add3A_1152, %mul3A_1151 : i32
      %get3A_1154 = arith.index_cast %add3A_1153 : i32 to index
      %get3A_1155 = tpu.vector_load %arg5[%get3A_1154] {strides = array<i32>} : memref<8000xf32, #tpu.memory_space<vmem>>, vector<16xf32>,
      %get3A_1156 = vector.shape_cast %get3A_1155 : vector<16xf32> to vector<16xf32>
      %gt3A_1157 = arith.cmpf ogt, %get3A_1156, %scan3A_1126 : vector<16xf32>
      %select_n3A_1158 = arith.select %gt3A_1157, %get3A_1156, %scan3A_1126 : vector<16xi1>, vector<16xf32>
      %broadcast_in_dim3A_1159 = vector.broadcast %add3A_1149 : i32 to vector<16xi32>
      %select_n3A_1160 = arith.select %gt3A_1157, %broadcast_in_dim3A_1159, %scan3A_1130 : vector<16xi1>, vector<16xi32>
      %add3A_1161 = arith.constant 2 : i32
      %add3A_1162 = arith.addi %mul3A_1134, %add3A_1161 : i32
      %mul3A_1163 = arith.constant 16 : i32
      %mul3A_1164 = arith.muli %add3A_1162, %mul3A_1163 : i32
      %add3A_1165 = arith.constant 1000 : i32
      %add3A_1166 = arith.addi %add3A_1165, %mul3A_1164 : i32
      %get3A_1167 = arith.index_cast %add3A_1166 : i32 to index
      %get3A_1168 = tpu.vector_load %arg5[%get3A_1167] {strides = array<i32>} : memref<8000xf32, #tpu.memory_space<vmem>>, vector<16xf32>,
      %get3A_1169 = vector.shape_cast %get3A_1168 : vector<16xf32> to vector<16xf32>
      %gt3A_1170 = arith.cmpf ogt, %get3A_1169, %scan3A_1127 : vector<16xf32>
      %select_n3A_1171 = arith.select %gt3A_1170, %get3A_1169, %scan3A_1127 : vector<16xi1>, vector<16xf32>
      %broadcast_in_dim3A_1172 = vector.broadcast %add3A_1162 : i32 to vector<16xi32>
      %select_n3A_1173 = arith.select %gt3A_1170, %broadcast_in_dim3A_1172, %scan3A_1131 : vector<16xi1>, vector<16xi32>
      %add3A_1174 = arith.constant 3 : i32
      %add3A_1175 = arith.addi %mul3A_1134, %add3A_1174 : i32
      %mul3A_1176 = arith.constant 16 : i32
      %mul3A_1177 = arith.muli %add3A_1175, %mul3A_1176 : i32
      %add3A_1178 = arith.constant 1000 : i32
      %add3A_1179 = arith.addi %add3A_1178, %mul3A_1177 : i32
      %get3A_1180 = arith.index_cast %add3A_1179 : i32 to index
      %get3A_1181 = tpu.vector_load %arg5[%get3A_1180] {strides = array<i32>} : memref<8000xf32, #tpu.memory_space<vmem>>, vector<16xf32>,
      %get3A_1182 = vector.shape_cast %get3A_1181 : vector<16xf32> to vector<16xf32>
      %gt3A_1183 = arith.cmpf ogt, %get3A_1182, %scan3A_1128 : vector<16xf32>
      %select_n3A_1184 = arith.select %gt3A_1183, %get3A_1182, %scan3A_1128 : vector<16xi1>, vector<16xf32>
      %broadcast_in_dim3A_1185 = vector.broadcast %add3A_1175 : i32 to vector<16xi32>
      %select_n3A_1186 = arith.select %gt3A_1183, %broadcast_in_dim3A_1185, %scan3A_1132 : vector<16xi1>, vector<16xi32>
      scf.yield %select_n3A_1145, %select_n3A_1158, %select_n3A_1171, %select_n3A_1184, %select_n3A_1147, %select_n3A_1160, %select_n3A_1173, %select_n3A_1186 : vector<16xf32>, vector<16xf32>, vector<16xf32>, vector<16xf32>, vector<16xi32>, vector<16xi32>, vector<16xi32>, vector<16xi32>
    }
    %scan3A_142 = arith.constant 15 : i32
    %get3A_143 = arith.constant 1960 : index
    %get3A_144 = tpu.vector_load %arg5[%get3A_143] {strides = array<i32>} : memref<8000xf32, #tpu.memory_space<vmem>>, vector<16xf32>,
    %get3A_145 = vector.shape_cast %get3A_144 : vector<16xf32> to vector<16xf32>
    %gt3A_146 = arith.cmpf ogt, %get3A_145, %scan3A_141#0 : vector<16xf32>
    %select_n3A_147 = arith.select %gt3A_146, %get3A_145, %scan3A_141#0 : vector<16xi1>, vector<16xf32>
    %jit3A_148 = arith.constant 60 : i32
    %broadcast_in_dim3A_149 = vector.broadcast %jit3A_148 : i32 to vector<16xi32>
    %select_n3A_150 = arith.select %gt3A_146, %broadcast_in_dim3A_149, %scan3A_141#4 : vector<16xi1>, vector<16xi32>
    %get3A_151 = arith.constant 1976 : index
    %get3A_152 = tpu.vector_load %arg5[%get3A_151] {strides = array<i32>} : memref<8000xf32, #tpu.memory_space<vmem>>, vector<16xf32>,
    %get3A_153 = vector.shape_cast %get3A_152 : vector<16xf32> to vector<16xf32>
    %gt3A_154 = arith.cmpf ogt, %get3A_153, %scan3A_141#1 : vector<16xf32>
    %select_n3A_155 = arith.select %gt3A_154, %get3A_153, %scan3A_141#1 : vector<16xi1>, vector<16xf32>
    %jit3A_156 = arith.constant 61 : i32
    %broadcast_in_dim3A_157 = vector.broadcast %jit3A_156 : i32 to vector<16xi32>
    %select_n3A_158 = arith.select %gt3A_154, %broadcast_in_dim3A_157, %scan3A_141#5 : vector<16xi1>, vector<16xi32>
    %mul3A_159 = arith.constant 16 : i32
    %mul3A_160 = vector.broadcast %mul3A_159 : i32 to vector<16xi32>
    %mul3A_161 = arith.muli %select_n3A_150, %mul3A_160 : vector<16xi32>
    %add3A_162 = arith.addi %mul3A_161, %iota3A : vector<16xi32>
    %mul3A_163 = arith.constant 16 : i32
    %mul3A_164 = vector.broadcast %mul3A_163 : i32 to vector<16xi32>
    %mul3A_165 = arith.muli %select_n3A_158, %mul3A_164 : vector<16xi32>
    %add3A_166 = arith.addi %mul3A_165, %iota3A : vector<16xi32>
    %mul3A_167 = arith.constant 16 : i32
    %mul3A_168 = vector.broadcast %mul3A_167 : i32 to vector<16xi32>
    %mul3A_169 = arith.muli %scan3A_141#6, %mul3A_168 : vector<16xi32>
    %add3A_170 = arith.addi %mul3A_169, %iota3A : vector<16xi32>
    %mul3A_171 = arith.constant 16 : i32
    %mul3A_172 = vector.broadcast %mul3A_171 : i32 to vector<16xi32>
    %mul3A_173 = arith.muli %scan3A_141#7, %mul3A_172 : vector<16xi32>
    %add3A_174 = arith.addi %mul3A_173, %iota3A : vector<16xi32>
    %gt3A_175 = arith.cmpf ogt, %select_n3A_155, %select_n3A_147 : vector<16xf32>
    %eq3A_176 = arith.cmpf oeq, %select_n3A_155, %select_n3A_147 : vector<16xf32>
    %lt3A_177 = arith.cmpi slt, %add3A_166, %add3A_162 : vector<16xi32>
    %and3A_178 = arith.andi %eq3A_176, %lt3A_177 : vector<16xi1>
    %or3A_179 = arith.ori %gt3A_175, %and3A_178 : vector<16xi1>
    %select_n3A_180 = arith.select %or3A_179, %select_n3A_155, %select_n3A_147 : vector<16xi1>, vector<16xf32>
    %select_n3A_181 = arith.select %or3A_179, %add3A_166, %add3A_162 : vector<16xi1>, vector<16xi32>
    %gt3A_182 = arith.cmpf ogt, %scan3A_141#3, %scan3A_141#2 : vector<16xf32>
    %eq3A_183 = arith.cmpf oeq, %scan3A_141#3, %scan3A_141#2 : vector<16xf32>
    %lt3A_184 = arith.cmpi slt, %add3A_174, %add3A_170 : vector<16xi32>
    %and3A_185 = arith.andi %eq3A_183, %lt3A_184 : vector<16xi1>
    %or3A_186 = arith.ori %gt3A_182, %and3A_185 : vector<16xi1>
    %select_n3A_187 = arith.select %or3A_186, %scan3A_141#3, %scan3A_141#2 : vector<16xi1>, vector<16xf32>
    %select_n3A_188 = arith.select %or3A_186, %add3A_174, %add3A_170 : vector<16xi1>, vector<16xi32>
    %gt3A_189 = arith.cmpf ogt, %select_n3A_187, %select_n3A_180 : vector<16xf32>
    %eq3A_190 = arith.cmpf oeq, %select_n3A_187, %select_n3A_180 : vector<16xf32>
    %lt3A_191 = arith.cmpi slt, %select_n3A_188, %select_n3A_181 : vector<16xi32>
    %and3A_192 = arith.andi %eq3A_190, %lt3A_191 : vector<16xi1>
    %or3A_193 = arith.ori %gt3A_189, %and3A_192 : vector<16xi1>
    %select_n3A_194 = arith.select %or3A_193, %select_n3A_187, %select_n3A_180 : vector<16xi1>, vector<16xf32>
    %select_n3A_195 = arith.select %or3A_193, %select_n3A_188, %select_n3A_181 : vector<16xi1>, vector<16xi32>
    %get3A_196 = arith.constant 1984 : index
    %get3A_197 = tpu.vector_load %arg5[%get3A_196] {strides = array<i32>} : memref<8000xf32, #tpu.memory_space<vmem>>, vector<16xf32>,
    %get3A_198 = vector.shape_cast %get3A_197 : vector<16xf32> to vector<16xf32>
    %add3A_199 = arith.constant 984 : i32
    %add3A_200 = vector.broadcast %add3A_199 : i32 to vector<16xi32>
    %add3A_201 = arith.addi %iota3A, %add3A_200 : vector<16xi32>
    %gt3A_202 = arith.cmpf ogt, %get3A_198, %select_n3A_194 : vector<16xf32>
    %eq3A_203 = arith.cmpf oeq, %get3A_198, %select_n3A_194 : vector<16xf32>
    %lt3A_204 = arith.cmpi slt, %add3A_201, %select_n3A_195 : vector<16xi32>
    %and3A_205 = arith.andi %eq3A_203, %lt3A_204 : vector<16xi1>
    %or3A_206 = arith.ori %gt3A_202, %and3A_205 : vector<16xi1>
    %select_n3A_207 = arith.select %or3A_206, %get3A_198, %select_n3A_194 : vector<16xi1>, vector<16xf32>
    %select_n3A_208 = arith.select %or3A_206, %add3A_201, %select_n3A_195 : vector<16xi1>, vector<16xi32>
    %xor3A_209 = arith.constant 8 : i32
    %xor3A_210 = vector.broadcast %xor3A_209 : i32 to vector<16xi32>
    %xor3A_211 = arith.xori %iota3A, %xor3A_210 : vector<16xi32>
    %broadcast_in_dim3A_212 = vector.shape_cast %xor3A_211 : vector<16xi32> to vector<16x1xi32>
    %gather3A_213 = vector.shape_cast %broadcast_in_dim3A_212 : vector<16x1xi32> to vector<16xi32>
    %gather3A_214 = tpu.dynamic_gather %select_n3A_207[%gather3A_213] in [0] : vector<16xf32>, vector<16xi32> -> vector<16xf32>
    %max3A_215 = arith.maximumf %select_n3A_207, %gather3A_214 : vector<16xf32>
    %xor3A_216 = arith.constant 4 : i32
    %xor3A_217 = vector.broadcast %xor3A_216 : i32 to vector<16xi32>
    %xor3A_218 = arith.xori %iota3A, %xor3A_217 : vector<16xi32>
    %broadcast_in_dim3A_219 = vector.shape_cast %xor3A_218 : vector<16xi32> to vector<16x1xi32>
    %gather3A_220 = vector.shape_cast %broadcast_in_dim3A_219 : vector<16x1xi32> to vector<16xi32>
    %gather3A_221 = tpu.dynamic_gather %max3A_215[%gather3A_220] in [0] : vector<16xf32>, vector<16xi32> -> vector<16xf32>
    %max3A_222 = arith.maximumf %max3A_215, %gather3A_221 : vector<16xf32>
    %xor3A_223 = arith.constant 2 : i32
    %xor3A_224 = vector.broadcast %xor3A_223 : i32 to vector<16xi32>
    %xor3A_225 = arith.xori %iota3A, %xor3A_224 : vector<16xi32>
    %broadcast_in_dim3A_226 = vector.shape_cast %xor3A_225 : vector<16xi32> to vector<16x1xi32>
    %gather3A_227 = vector.shape_cast %broadcast_in_dim3A_226 : vector<16x1xi32> to vector<16xi32>
    %gather3A_228 = tpu.dynamic_gather %max3A_222[%gather3A_227] in [0] : vector<16xf32>, vector<16xi32> -> vector<16xf32>
    %max3A_229 = arith.maximumf %max3A_222, %gather3A_228 : vector<16xf32>
    %xor3A_230 = arith.constant 1 : i32
    %xor3A_231 = vector.broadcast %xor3A_230 : i32 to vector<16xi32>
    %xor3A_232 = arith.xori %iota3A, %xor3A_231 : vector<16xi32>
    %broadcast_in_dim3A_233 = vector.shape_cast %xor3A_232 : vector<16xi32> to vector<16x1xi32>
    %gather3A_234 = vector.shape_cast %broadcast_in_dim3A_233 : vector<16x1xi32> to vector<16xi32>
    %gather3A_235 = tpu.dynamic_gather %max3A_229[%gather3A_234] in [0] : vector<16xf32>, vector<16xi32> -> vector<16xf32>
    %max3A_236 = arith.maximumf %max3A_229, %gather3A_235 : vector<16xf32>
    %eq3A_237 = arith.cmpf oeq, %select_n3A_207, %max3A_236 : vector<16xf32>
    %jit3A_238 = arith.constant 1000 : i32
    %broadcast_in_dim3A_239 = vector.broadcast %jit3A_238 : i32 to vector<16xi32>
    %select_n3A_240 = arith.select %eq3A_237, %select_n3A_208, %broadcast_in_dim3A_239 : vector<16xi1>, vector<16xi32>
    %xor3A_241 = arith.constant 8 : i32
    %xor3A_242 = vector.broadcast %xor3A_241 : i32 to vector<16xi32>
    %xor3A_243 = arith.xori %iota3A, %xor3A_242 : vector<16xi32>
    %broadcast_in_dim3A_244 = vector.shape_cast %xor3A_243 : vector<16xi32> to vector<16x1xi32>
    %gather3A_245 = vector.shape_cast %broadcast_in_dim3A_244 : vector<16x1xi32> to vector<16xi32>
    %gather3A_246 = tpu.dynamic_gather %select_n3A_240[%gather3A_245] in [0] : vector<16xi32>, vector<16xi32> -> vector<16xi32>
    %min3A_247 = arith.minsi %select_n3A_240, %gather3A_246 : vector<16xi32>
    %xor3A_248 = arith.constant 4 : i32
    %xor3A_249 = vector.broadcast %xor3A_248 : i32 to vector<16xi32>
    %xor3A_250 = arith.xori %iota3A, %xor3A_249 : vector<16xi32>
    %broadcast_in_dim3A_251 = vector.shape_cast %xor3A_250 : vector<16xi32> to vector<16x1xi32>
    %gather3A_252 = vector.shape_cast %broadcast_in_dim3A_251 : vector<16x1xi32> to vector<16xi32>
    %gather3A_253 = tpu.dynamic_gather %min3A_247[%gather3A_252] in [0] : vector<16xi32>, vector<16xi32> -> vector<16xi32>
    %min3A_254 = arith.minsi %min3A_247, %gather3A_253 : vector<16xi32>
    %xor3A_255 = arith.constant 2 : i32
    %xor3A_256 = vector.broadcast %xor3A_255 : i32 to vector<16xi32>
    %xor3A_257 = arith.xori %iota3A, %xor3A_256 : vector<16xi32>
    %broadcast_in_dim3A_258 = vector.shape_cast %xor3A_257 : vector<16xi32> to vector<16x1xi32>
    %gather3A_259 = vector.shape_cast %broadcast_in_dim3A_258 : vector<16x1xi32> to vector<16xi32>
    %gather3A_260 = tpu.dynamic_gather %min3A_254[%gather3A_259] in [0] : vector<16xi32>, vector<16xi32> -> vector<16xi32>
    %min3A_261 = arith.minsi %min3A_254, %gather3A_260 : vector<16xi32>
    %xor3A_262 = arith.constant 1 : i32
    %xor3A_263 = vector.broadcast %xor3A_262 : i32 to vector<16xi32>
    %xor3A_264 = arith.xori %iota3A, %xor3A_263 : vector<16xi32>
    %broadcast_in_dim3A_265 = vector.shape_cast %xor3A_264 : vector<16xi32> to vector<16x1xi32>
    %gather3A_266 = vector.shape_cast %broadcast_in_dim3A_265 : vector<16x1xi32> to vector<16xi32>
    %gather3A_267 = tpu.dynamic_gather %min3A_261[%gather3A_266] in [0] : vector<16xi32>, vector<16xi32> -> vector<16xi32>
    %min3A_268 = arith.minsi %min3A_261, %gather3A_267 : vector<16xi32>
    %eq3A_269 = arith.constant 1 : i32
    %eq3A_270 = vector.broadcast %eq3A_269 : i32 to vector<16xi32>
    %eq3A_271 = arith.cmpi eq, %iota3A, %eq3A_270 : vector<16xi32>
    %select_n3A_272 = arith.select %eq3A_271, %min3A_268, %select_n3A_132 : vector<16xi1>, vector<16xi32>
    %broadcast_in_dim3A_273 = arith.constant 0xFF800000 : f32
    %broadcast_in_dim3A_274 = vector.broadcast %broadcast_in_dim3A_273 : f32 to vector<16xf32>
    %broadcast_in_dim3A_275 = arith.constant 0 : i32
    %broadcast_in_dim3A_276 = vector.broadcast %broadcast_in_dim3A_275 : i32 to vector<16xi32>
    %scan3A_277 = arith.constant 0 : i32
    %scan3A_278 = arith.constant 15 : i32
    %scan3A_279 = arith.addi %scan3A_277, %scan3A_278 : i32
    %scan3A_280 = arith.constant 1 : i32
    %scan3A_281:8 = scf.for %scan3A_1124 = %scan3A_277 to %scan3A_279 step %scan3A_280 iter_args(%scan3A_1125 = %broadcast_in_dim3A_274, %scan3A_1126 = %broadcast_in_dim3A_274, %scan3A_1127 = %broadcast_in_dim3A_274, %scan3A_1128 = %broadcast_in_dim3A_274, %scan3A_1129 = %broadcast_in_dim3A_276, %scan3A_1130 = %broadcast_in_dim3A_276, %scan3A_1131 = %broadcast_in_dim3A_276, %scan3A_1132 = %broadcast_in_dim3A_276) -> (vector<16xf32>, vector<16xf32>, vector<16xf32>, vector<16xf32>, vector<16xi32>, vector<16xi32>, vector<16xi32>, vector<16xi32>)  : i32 {
      %mul3A_1133 = arith.constant 4 : i32
      %mul3A_1134 = arith.muli %scan3A_1124, %mul3A_1133 : i32
      %add3A_1135 = arith.constant 0 : i32
      %add3A_1136 = arith.addi %mul3A_1134, %add3A_1135 : i32
      %mul3A_1137 = arith.constant 16 : i32
      %mul3A_1138 = arith.muli %add3A_1136, %mul3A_1137 : i32
      %add3A_1139 = arith.constant 2000 : i32
      %add3A_1140 = arith.addi %add3A_1139, %mul3A_1138 : i32
      %get3A_1141 = arith.index_cast %add3A_1140 : i32 to index
      %get3A_1142 = tpu.vector_load %arg5[%get3A_1141] {strides = array<i32>} : memref<8000xf32, #tpu.memory_space<vmem>>, vector<16xf32>,
      %get3A_1143 = vector.shape_cast %get3A_1142 : vector<16xf32> to vector<16xf32>
      %gt3A_1144 = arith.cmpf ogt, %get3A_1143, %scan3A_1125 : vector<16xf32>
      %select_n3A_1145 = arith.select %gt3A_1144, %get3A_1143, %scan3A_1125 : vector<16xi1>, vector<16xf32>
      %broadcast_in_dim3A_1146 = vector.broadcast %add3A_1136 : i32 to vector<16xi32>
      %select_n3A_1147 = arith.select %gt3A_1144, %broadcast_in_dim3A_1146, %scan3A_1129 : vector<16xi1>, vector<16xi32>
      %add3A_1148 = arith.constant 1 : i32
      %add3A_1149 = arith.addi %mul3A_1134, %add3A_1148 : i32
      %mul3A_1150 = arith.constant 16 : i32
      %mul3A_1151 = arith.muli %add3A_1149, %mul3A_1150 : i32
      %add3A_1152 = arith.constant 2000 : i32
      %add3A_1153 = arith.addi %add3A_1152, %mul3A_1151 : i32
      %get3A_1154 = arith.index_cast %add3A_1153 : i32 to index
      %get3A_1155 = tpu.vector_load %arg5[%get3A_1154] {strides = array<i32>} : memref<8000xf32, #tpu.memory_space<vmem>>, vector<16xf32>,
      %get3A_1156 = vector.shape_cast %get3A_1155 : vector<16xf32> to vector<16xf32>
      %gt3A_1157 = arith.cmpf ogt, %get3A_1156, %scan3A_1126 : vector<16xf32>
      %select_n3A_1158 = arith.select %gt3A_1157, %get3A_1156, %scan3A_1126 : vector<16xi1>, vector<16xf32>
      %broadcast_in_dim3A_1159 = vector.broadcast %add3A_1149 : i32 to vector<16xi32>
      %select_n3A_1160 = arith.select %gt3A_1157, %broadcast_in_dim3A_1159, %scan3A_1130 : vector<16xi1>, vector<16xi32>
      %add3A_1161 = arith.constant 2 : i32
      %add3A_1162 = arith.addi %mul3A_1134, %add3A_1161 : i32
      %mul3A_1163 = arith.constant 16 : i32
      %mul3A_1164 = arith.muli %add3A_1162, %mul3A_1163 : i32
      %add3A_1165 = arith.constant 2000 : i32
      %add3A_1166 = arith.addi %add3A_1165, %mul3A_1164 : i32
      %get3A_1167 = arith.index_cast %add3A_1166 : i32 to index
      %get3A_1168 = tpu.vector_load %arg5[%get3A_1167] {strides = array<i32>} : memref<8000xf32, #tpu.memory_space<vmem>>, vector<16xf32>,
      %get3A_1169 = vector.shape_cast %get3A_1168 : vector<16xf32> to vector<16xf32>
      %gt3A_1170 = arith.cmpf ogt, %get3A_1169, %scan3A_1127 : vector<16xf32>
      %select_n3A_1171 = arith.select %gt3A_1170, %get3A_1169, %scan3A_1127 : vector<16xi1>, vector<16xf32>
      %broadcast_in_dim3A_1172 = vector.broadcast %add3A_1162 : i32 to vector<16xi32>
      %select_n3A_1173 = arith.select %gt3A_1170, %broadcast_in_dim3A_1172, %scan3A_1131 : vector<16xi1>, vector<16xi32>
      %add3A_1174 = arith.constant 3 : i32
      %add3A_1175 = arith.addi %mul3A_1134, %add3A_1174 : i32
      %mul3A_1176 = arith.constant 16 : i32
      %mul3A_1177 = arith.muli %add3A_1175, %mul3A_1176 : i32
      %add3A_1178 = arith.constant 2000 : i32
      %add3A_1179 = arith.addi %add3A_1178, %mul3A_1177 : i32
      %get3A_1180 = arith.index_cast %add3A_1179 : i32 to index
      %get3A_1181 = tpu.vector_load %arg5[%get3A_1180] {strides = array<i32>} : memref<8000xf32, #tpu.memory_space<vmem>>, vector<16xf32>,
      %get3A_1182 = vector.shape_cast %get3A_1181 : vector<16xf32> to vector<16xf32>
      %gt3A_1183 = arith.cmpf ogt, %get3A_1182, %scan3A_1128 : vector<16xf32>
      %select_n3A_1184 = arith.select %gt3A_1183, %get3A_1182, %scan3A_1128 : vector<16xi1>, vector<16xf32>
      %broadcast_in_dim3A_1185 = vector.broadcast %add3A_1175 : i32 to vector<16xi32>
      %select_n3A_1186 = arith.select %gt3A_1183, %broadcast_in_dim3A_1185, %scan3A_1132 : vector<16xi1>, vector<16xi32>
      scf.yield %select_n3A_1145, %select_n3A_1158, %select_n3A_1171, %select_n3A_1184, %select_n3A_1147, %select_n3A_1160, %select_n3A_1173, %select_n3A_1186 : vector<16xf32>, vector<16xf32>, vector<16xf32>, vector<16xf32>, vector<16xi32>, vector<16xi32>, vector<16xi32>, vector<16xi32>
    }
    %scan3A_282 = arith.constant 15 : i32
    %get3A_283 = arith.constant 2960 : index
    %get3A_284 = tpu.vector_load %arg5[%get3A_283] {strides = array<i32>} : memref<8000xf32, #tpu.memory_space<vmem>>, vector<16xf32>,
    %get3A_285 = vector.shape_cast %get3A_284 : vector<16xf32> to vector<16xf32>
    %gt3A_286 = arith.cmpf ogt, %get3A_285, %scan3A_281#0 : vector<16xf32>
    %select_n3A_287 = arith.select %gt3A_286, %get3A_285, %scan3A_281#0 : vector<16xi1>, vector<16xf32>
    %jit3A_288 = arith.constant 60 : i32
    %broadcast_in_dim3A_289 = vector.broadcast %jit3A_288 : i32 to vector<16xi32>
    %select_n3A_290 = arith.select %gt3A_286, %broadcast_in_dim3A_289, %scan3A_281#4 : vector<16xi1>, vector<16xi32>
    %get3A_291 = arith.constant 2976 : index
    %get3A_292 = tpu.vector_load %arg5[%get3A_291] {strides = array<i32>} : memref<8000xf32, #tpu.memory_space<vmem>>, vector<16xf32>,
    %get3A_293 = vector.shape_cast %get3A_292 : vector<16xf32> to vector<16xf32>
    %gt3A_294 = arith.cmpf ogt, %get3A_293, %scan3A_281#1 : vector<16xf32>
    %select_n3A_295 = arith.select %gt3A_294, %get3A_293, %scan3A_281#1 : vector<16xi1>, vector<16xf32>
    %jit3A_296 = arith.constant 61 : i32
    %broadcast_in_dim3A_297 = vector.broadcast %jit3A_296 : i32 to vector<16xi32>
    %select_n3A_298 = arith.select %gt3A_294, %broadcast_in_dim3A_297, %scan3A_281#5 : vector<16xi1>, vector<16xi32>
    %mul3A_299 = arith.constant 16 : i32
    %mul3A_300 = vector.broadcast %mul3A_299 : i32 to vector<16xi32>
    %mul3A_301 = arith.muli %select_n3A_290, %mul3A_300 : vector<16xi32>
    %add3A_302 = arith.addi %mul3A_301, %iota3A : vector<16xi32>
    %mul3A_303 = arith.constant 16 : i32
    %mul3A_304 = vector.broadcast %mul3A_303 : i32 to vector<16xi32>
    %mul3A_305 = arith.muli %select_n3A_298, %mul3A_304 : vector<16xi32>
    %add3A_306 = arith.addi %mul3A_305, %iota3A : vector<16xi32>
    %mul3A_307 = arith.constant 16 : i32
    %mul3A_308 = vector.broadcast %mul3A_307 : i32 to vector<16xi32>
    %mul3A_309 = arith.muli %scan3A_281#6, %mul3A_308 : vector<16xi32>
    %add3A_310 = arith.addi %mul3A_309, %iota3A : vector<16xi32>
    %mul3A_311 = arith.constant 16 : i32
    %mul3A_312 = vector.broadcast %mul3A_311 : i32 to vector<16xi32>
    %mul3A_313 = arith.muli %scan3A_281#7, %mul3A_312 : vector<16xi32>
    %add3A_314 = arith.addi %mul3A_313, %iota3A : vector<16xi32>
    %gt3A_315 = arith.cmpf ogt, %select_n3A_295, %select_n3A_287 : vector<16xf32>
    %eq3A_316 = arith.cmpf oeq, %select_n3A_295, %select_n3A_287 : vector<16xf32>
    %lt3A_317 = arith.cmpi slt, %add3A_306, %add3A_302 : vector<16xi32>
    %and3A_318 = arith.andi %eq3A_316, %lt3A_317 : vector<16xi1>
    %or3A_319 = arith.ori %gt3A_315, %and3A_318 : vector<16xi1>
    %select_n3A_320 = arith.select %or3A_319, %select_n3A_295, %select_n3A_287 : vector<16xi1>, vector<16xf32>
    %select_n3A_321 = arith.select %or3A_319, %add3A_306, %add3A_302 : vector<16xi1>, vector<16xi32>
    %gt3A_322 = arith.cmpf ogt, %scan3A_281#3, %scan3A_281#2 : vector<16xf32>
    %eq3A_323 = arith.cmpf oeq, %scan3A_281#3, %scan3A_281#2 : vector<16xf32>
    %lt3A_324 = arith.cmpi slt, %add3A_314, %add3A_310 : vector<16xi32>
    %and3A_325 = arith.andi %eq3A_323, %lt3A_324 : vector<16xi1>
    %or3A_326 = arith.ori %gt3A_322, %and3A_325 : vector<16xi1>
    %select_n3A_327 = arith.select %or3A_326, %scan3A_281#3, %scan3A_281#2 : vector<16xi1>, vector<16xf32>
    %select_n3A_328 = arith.select %or3A_326, %add3A_314, %add3A_310 : vector<16xi1>, vector<16xi32>
    %gt3A_329 = arith.cmpf ogt, %select_n3A_327, %select_n3A_320 : vector<16xf32>
    %eq3A_330 = arith.cmpf oeq, %select_n3A_327, %select_n3A_320 : vector<16xf32>
    %lt3A_331 = arith.cmpi slt, %select_n3A_328, %select_n3A_321 : vector<16xi32>
    %and3A_332 = arith.andi %eq3A_330, %lt3A_331 : vector<16xi1>
    %or3A_333 = arith.ori %gt3A_329, %and3A_332 : vector<16xi1>
    %select_n3A_334 = arith.select %or3A_333, %select_n3A_327, %select_n3A_320 : vector<16xi1>, vector<16xf32>
    %select_n3A_335 = arith.select %or3A_333, %select_n3A_328, %select_n3A_321 : vector<16xi1>, vector<16xi32>
    %get3A_336 = arith.constant 2984 : index
    %get3A_337 = tpu.vector_load %arg5[%get3A_336] {strides = array<i32>} : memref<8000xf32, #tpu.memory_space<vmem>>, vector<16xf32>,
    %get3A_338 = vector.shape_cast %get3A_337 : vector<16xf32> to vector<16xf32>
    %add3A_339 = arith.constant 984 : i32
    %add3A_340 = vector.broadcast %add3A_339 : i32 to vector<16xi32>
    %add3A_341 = arith.addi %iota3A, %add3A_340 : vector<16xi32>
    %gt3A_342 = arith.cmpf ogt, %get3A_338, %select_n3A_334 : vector<16xf32>
    %eq3A_343 = arith.cmpf oeq, %get3A_338, %select_n3A_334 : vector<16xf32>
    %lt3A_344 = arith.cmpi slt, %add3A_341, %select_n3A_335 : vector<16xi32>
    %and3A_345 = arith.andi %eq3A_343, %lt3A_344 : vector<16xi1>
    %or3A_346 = arith.ori %gt3A_342, %and3A_345 : vector<16xi1>
    %select_n3A_347 = arith.select %or3A_346, %get3A_338, %select_n3A_334 : vector<16xi1>, vector<16xf32>
    %select_n3A_348 = arith.select %or3A_346, %add3A_341, %select_n3A_335 : vector<16xi1>, vector<16xi32>
    %xor3A_349 = arith.constant 8 : i32
    %xor3A_350 = vector.broadcast %xor3A_349 : i32 to vector<16xi32>
    %xor3A_351 = arith.xori %iota3A, %xor3A_350 : vector<16xi32>
    %broadcast_in_dim3A_352 = vector.shape_cast %xor3A_351 : vector<16xi32> to vector<16x1xi32>
    %gather3A_353 = vector.shape_cast %broadcast_in_dim3A_352 : vector<16x1xi32> to vector<16xi32>
    %gather3A_354 = tpu.dynamic_gather %select_n3A_347[%gather3A_353] in [0] : vector<16xf32>, vector<16xi32> -> vector<16xf32>
    %max3A_355 = arith.maximumf %select_n3A_347, %gather3A_354 : vector<16xf32>
    %xor3A_356 = arith.constant 4 : i32
    %xor3A_357 = vector.broadcast %xor3A_356 : i32 to vector<16xi32>
    %xor3A_358 = arith.xori %iota3A, %xor3A_357 : vector<16xi32>
    %broadcast_in_dim3A_359 = vector.shape_cast %xor3A_358 : vector<16xi32> to vector<16x1xi32>
    %gather3A_360 = vector.shape_cast %broadcast_in_dim3A_359 : vector<16x1xi32> to vector<16xi32>
    %gather3A_361 = tpu.dynamic_gather %max3A_355[%gather3A_360] in [0] : vector<16xf32>, vector<16xi32> -> vector<16xf32>
    %max3A_362 = arith.maximumf %max3A_355, %gather3A_361 : vector<16xf32>
    %xor3A_363 = arith.constant 2 : i32
    %xor3A_364 = vector.broadcast %xor3A_363 : i32 to vector<16xi32>
    %xor3A_365 = arith.xori %iota3A, %xor3A_364 : vector<16xi32>
    %broadcast_in_dim3A_366 = vector.shape_cast %xor3A_365 : vector<16xi32> to vector<16x1xi32>
    %gather3A_367 = vector.shape_cast %broadcast_in_dim3A_366 : vector<16x1xi32> to vector<16xi32>
    %gather3A_368 = tpu.dynamic_gather %max3A_362[%gather3A_367] in [0] : vector<16xf32>, vector<16xi32> -> vector<16xf32>
    %max3A_369 = arith.maximumf %max3A_362, %gather3A_368 : vector<16xf32>
    %xor3A_370 = arith.constant 1 : i32
    %xor3A_371 = vector.broadcast %xor3A_370 : i32 to vector<16xi32>
    %xor3A_372 = arith.xori %iota3A, %xor3A_371 : vector<16xi32>
    %broadcast_in_dim3A_373 = vector.shape_cast %xor3A_372 : vector<16xi32> to vector<16x1xi32>
    %gather3A_374 = vector.shape_cast %broadcast_in_dim3A_373 : vector<16x1xi32> to vector<16xi32>
    %gather3A_375 = tpu.dynamic_gather %max3A_369[%gather3A_374] in [0] : vector<16xf32>, vector<16xi32> -> vector<16xf32>
    %max3A_376 = arith.maximumf %max3A_369, %gather3A_375 : vector<16xf32>
    %eq3A_377 = arith.cmpf oeq, %select_n3A_347, %max3A_376 : vector<16xf32>
    %jit3A_378 = arith.constant 1000 : i32
    %broadcast_in_dim3A_379 = vector.broadcast %jit3A_378 : i32 to vector<16xi32>
    %select_n3A_380 = arith.select %eq3A_377, %select_n3A_348, %broadcast_in_dim3A_379 : vector<16xi1>, vector<16xi32>
    %xor3A_381 = arith.constant 8 : i32
    %xor3A_382 = vector.broadcast %xor3A_381 : i32 to vector<16xi32>
    %xor3A_383 = arith.xori %iota3A, %xor3A_382 : vector<16xi32>
    %broadcast_in_dim3A_384 = vector.shape_cast %xor3A_383 : vector<16xi32> to vector<16x1xi32>
    %gather3A_385 = vector.shape_cast %broadcast_in_dim3A_384 : vector<16x1xi32> to vector<16xi32>
    %gather3A_386 = tpu.dynamic_gather %select_n3A_380[%gather3A_385] in [0] : vector<16xi32>, vector<16xi32> -> vector<16xi32>
    %min3A_387 = arith.minsi %select_n3A_380, %gather3A_386 : vector<16xi32>
    %xor3A_388 = arith.constant 4 : i32
    %xor3A_389 = vector.broadcast %xor3A_388 : i32 to vector<16xi32>
    %xor3A_390 = arith.xori %iota3A, %xor3A_389 : vector<16xi32>
    %broadcast_in_dim3A_391 = vector.shape_cast %xor3A_390 : vector<16xi32> to vector<16x1xi32>
    %gather3A_392 = vector.shape_cast %broadcast_in_dim3A_391 : vector<16x1xi32> to vector<16xi32>
    %gather3A_393 = tpu.dynamic_gather %min3A_387[%gather3A_392] in [0] : vector<16xi32>, vector<16xi32> -> vector<16xi32>
    %min3A_394 = arith.minsi %min3A_387, %gather3A_393 : vector<16xi32>
    %xor3A_395 = arith.constant 2 : i32
    %xor3A_396 = vector.broadcast %xor3A_395 : i32 to vector<16xi32>
    %xor3A_397 = arith.xori %iota3A, %xor3A_396 : vector<16xi32>
    %broadcast_in_dim3A_398 = vector.shape_cast %xor3A_397 : vector<16xi32> to vector<16x1xi32>
    %gather3A_399 = vector.shape_cast %broadcast_in_dim3A_398 : vector<16x1xi32> to vector<16xi32>
    %gather3A_400 = tpu.dynamic_gather %min3A_394[%gather3A_399] in [0] : vector<16xi32>, vector<16xi32> -> vector<16xi32>
    %min3A_401 = arith.minsi %min3A_394, %gather3A_400 : vector<16xi32>
    %xor3A_402 = arith.constant 1 : i32
    %xor3A_403 = vector.broadcast %xor3A_402 : i32 to vector<16xi32>
    %xor3A_404 = arith.xori %iota3A, %xor3A_403 : vector<16xi32>
    %broadcast_in_dim3A_405 = vector.shape_cast %xor3A_404 : vector<16xi32> to vector<16x1xi32>
    %gather3A_406 = vector.shape_cast %broadcast_in_dim3A_405 : vector<16x1xi32> to vector<16xi32>
    %gather3A_407 = tpu.dynamic_gather %min3A_401[%gather3A_406] in [0] : vector<16xi32>, vector<16xi32> -> vector<16xi32>
    %min3A_408 = arith.minsi %min3A_401, %gather3A_407 : vector<16xi32>
    %eq3A_409 = arith.constant 2 : i32
    %eq3A_410 = vector.broadcast %eq3A_409 : i32 to vector<16xi32>
    %eq3A_411 = arith.cmpi eq, %iota3A, %eq3A_410 : vector<16xi32>
    %select_n3A_412 = arith.select %eq3A_411, %min3A_408, %select_n3A_272 : vector<16xi1>, vector<16xi32>
    %broadcast_in_dim3A_413 = arith.constant 0xFF800000 : f32
    %broadcast_in_dim3A_414 = vector.broadcast %broadcast_in_dim3A_413 : f32 to vector<16xf32>
    %broadcast_in_dim3A_415 = arith.constant 0 : i32
    %broadcast_in_dim3A_416 = vector.broadcast %broadcast_in_dim3A_415 : i32 to vector<16xi32>
    %scan3A_417 = arith.constant 0 : i32
    %scan3A_418 = arith.constant 15 : i32
    %scan3A_419 = arith.addi %scan3A_417, %scan3A_418 : i32
    %scan3A_420 = arith.constant 1 : i32
    %scan3A_421:8 = scf.for %scan3A_1124 = %scan3A_417 to %scan3A_419 step %scan3A_420 iter_args(%scan3A_1125 = %broadcast_in_dim3A_414, %scan3A_1126 = %broadcast_in_dim3A_414, %scan3A_1127 = %broadcast_in_dim3A_414, %scan3A_1128 = %broadcast_in_dim3A_414, %scan3A_1129 = %broadcast_in_dim3A_416, %scan3A_1130 = %broadcast_in_dim3A_416, %scan3A_1131 = %broadcast_in_dim3A_416, %scan3A_1132 = %broadcast_in_dim3A_416) -> (vector<16xf32>, vector<16xf32>, vector<16xf32>, vector<16xf32>, vector<16xi32>, vector<16xi32>, vector<16xi32>, vector<16xi32>)  : i32 {
      %mul3A_1133 = arith.constant 4 : i32
      %mul3A_1134 = arith.muli %scan3A_1124, %mul3A_1133 : i32
      %add3A_1135 = arith.constant 0 : i32
      %add3A_1136 = arith.addi %mul3A_1134, %add3A_1135 : i32
      %mul3A_1137 = arith.constant 16 : i32
      %mul3A_1138 = arith.muli %add3A_1136, %mul3A_1137 : i32
      %add3A_1139 = arith.constant 3000 : i32
      %add3A_1140 = arith.addi %add3A_1139, %mul3A_1138 : i32
      %get3A_1141 = arith.index_cast %add3A_1140 : i32 to index
      %get3A_1142 = tpu.vector_load %arg5[%get3A_1141] {strides = array<i32>} : memref<8000xf32, #tpu.memory_space<vmem>>, vector<16xf32>,
      %get3A_1143 = vector.shape_cast %get3A_1142 : vector<16xf32> to vector<16xf32>
      %gt3A_1144 = arith.cmpf ogt, %get3A_1143, %scan3A_1125 : vector<16xf32>
      %select_n3A_1145 = arith.select %gt3A_1144, %get3A_1143, %scan3A_1125 : vector<16xi1>, vector<16xf32>
      %broadcast_in_dim3A_1146 = vector.broadcast %add3A_1136 : i32 to vector<16xi32>
      %select_n3A_1147 = arith.select %gt3A_1144, %broadcast_in_dim3A_1146, %scan3A_1129 : vector<16xi1>, vector<16xi32>
      %add3A_1148 = arith.constant 1 : i32
      %add3A_1149 = arith.addi %mul3A_1134, %add3A_1148 : i32
      %mul3A_1150 = arith.constant 16 : i32
      %mul3A_1151 = arith.muli %add3A_1149, %mul3A_1150 : i32
      %add3A_1152 = arith.constant 3000 : i32
      %add3A_1153 = arith.addi %add3A_1152, %mul3A_1151 : i32
      %get3A_1154 = arith.index_cast %add3A_1153 : i32 to index
      %get3A_1155 = tpu.vector_load %arg5[%get3A_1154] {strides = array<i32>} : memref<8000xf32, #tpu.memory_space<vmem>>, vector<16xf32>,
      %get3A_1156 = vector.shape_cast %get3A_1155 : vector<16xf32> to vector<16xf32>
      %gt3A_1157 = arith.cmpf ogt, %get3A_1156, %scan3A_1126 : vector<16xf32>
      %select_n3A_1158 = arith.select %gt3A_1157, %get3A_1156, %scan3A_1126 : vector<16xi1>, vector<16xf32>
      %broadcast_in_dim3A_1159 = vector.broadcast %add3A_1149 : i32 to vector<16xi32>
      %select_n3A_1160 = arith.select %gt3A_1157, %broadcast_in_dim3A_1159, %scan3A_1130 : vector<16xi1>, vector<16xi32>
      %add3A_1161 = arith.constant 2 : i32
      %add3A_1162 = arith.addi %mul3A_1134, %add3A_1161 : i32
      %mul3A_1163 = arith.constant 16 : i32
      %mul3A_1164 = arith.muli %add3A_1162, %mul3A_1163 : i32
      %add3A_1165 = arith.constant 3000 : i32
      %add3A_1166 = arith.addi %add3A_1165, %mul3A_1164 : i32
      %get3A_1167 = arith.index_cast %add3A_1166 : i32 to index
      %get3A_1168 = tpu.vector_load %arg5[%get3A_1167] {strides = array<i32>} : memref<8000xf32, #tpu.memory_space<vmem>>, vector<16xf32>,
      %get3A_1169 = vector.shape_cast %get3A_1168 : vector<16xf32> to vector<16xf32>
      %gt3A_1170 = arith.cmpf ogt, %get3A_1169, %scan3A_1127 : vector<16xf32>
      %select_n3A_1171 = arith.select %gt3A_1170, %get3A_1169, %scan3A_1127 : vector<16xi1>, vector<16xf32>
      %broadcast_in_dim3A_1172 = vector.broadcast %add3A_1162 : i32 to vector<16xi32>
      %select_n3A_1173 = arith.select %gt3A_1170, %broadcast_in_dim3A_1172, %scan3A_1131 : vector<16xi1>, vector<16xi32>
      %add3A_1174 = arith.constant 3 : i32
      %add3A_1175 = arith.addi %mul3A_1134, %add3A_1174 : i32
      %mul3A_1176 = arith.constant 16 : i32
      %mul3A_1177 = arith.muli %add3A_1175, %mul3A_1176 : i32
      %add3A_1178 = arith.constant 3000 : i32
      %add3A_1179 = arith.addi %add3A_1178, %mul3A_1177 : i32
      %get3A_1180 = arith.index_cast %add3A_1179 : i32 to index
      %get3A_1181 = tpu.vector_load %arg5[%get3A_1180] {strides = array<i32>} : memref<8000xf32, #tpu.memory_space<vmem>>, vector<16xf32>,
      %get3A_1182 = vector.shape_cast %get3A_1181 : vector<16xf32> to vector<16xf32>
      %gt3A_1183 = arith.cmpf ogt, %get3A_1182, %scan3A_1128 : vector<16xf32>
      %select_n3A_1184 = arith.select %gt3A_1183, %get3A_1182, %scan3A_1128 : vector<16xi1>, vector<16xf32>
      %broadcast_in_dim3A_1185 = vector.broadcast %add3A_1175 : i32 to vector<16xi32>
      %select_n3A_1186 = arith.select %gt3A_1183, %broadcast_in_dim3A_1185, %scan3A_1132 : vector<16xi1>, vector<16xi32>
      scf.yield %select_n3A_1145, %select_n3A_1158, %select_n3A_1171, %select_n3A_1184, %select_n3A_1147, %select_n3A_1160, %select_n3A_1173, %select_n3A_1186 : vector<16xf32>, vector<16xf32>, vector<16xf32>, vector<16xf32>, vector<16xi32>, vector<16xi32>, vector<16xi32>, vector<16xi32>
    }
    %scan3A_422 = arith.constant 15 : i32
    %get3A_423 = arith.constant 3960 : index
    %get3A_424 = tpu.vector_load %arg5[%get3A_423] {strides = array<i32>} : memref<8000xf32, #tpu.memory_space<vmem>>, vector<16xf32>,
    %get3A_425 = vector.shape_cast %get3A_424 : vector<16xf32> to vector<16xf32>
    %gt3A_426 = arith.cmpf ogt, %get3A_425, %scan3A_421#0 : vector<16xf32>
    %select_n3A_427 = arith.select %gt3A_426, %get3A_425, %scan3A_421#0 : vector<16xi1>, vector<16xf32>
    %jit3A_428 = arith.constant 60 : i32
    %broadcast_in_dim3A_429 = vector.broadcast %jit3A_428 : i32 to vector<16xi32>
    %select_n3A_430 = arith.select %gt3A_426, %broadcast_in_dim3A_429, %scan3A_421#4 : vector<16xi1>, vector<16xi32>
    %get3A_431 = arith.constant 3976 : index
    %get3A_432 = tpu.vector_load %arg5[%get3A_431] {strides = array<i32>} : memref<8000xf32, #tpu.memory_space<vmem>>, vector<16xf32>,
    %get3A_433 = vector.shape_cast %get3A_432 : vector<16xf32> to vector<16xf32>
    %gt3A_434 = arith.cmpf ogt, %get3A_433, %scan3A_421#1 : vector<16xf32>
    %select_n3A_435 = arith.select %gt3A_434, %get3A_433, %scan3A_421#1 : vector<16xi1>, vector<16xf32>
    %jit3A_436 = arith.constant 61 : i32
    %broadcast_in_dim3A_437 = vector.broadcast %jit3A_436 : i32 to vector<16xi32>
    %select_n3A_438 = arith.select %gt3A_434, %broadcast_in_dim3A_437, %scan3A_421#5 : vector<16xi1>, vector<16xi32>
    %mul3A_439 = arith.constant 16 : i32
    %mul3A_440 = vector.broadcast %mul3A_439 : i32 to vector<16xi32>
    %mul3A_441 = arith.muli %select_n3A_430, %mul3A_440 : vector<16xi32>
    %add3A_442 = arith.addi %mul3A_441, %iota3A : vector<16xi32>
    %mul3A_443 = arith.constant 16 : i32
    %mul3A_444 = vector.broadcast %mul3A_443 : i32 to vector<16xi32>
    %mul3A_445 = arith.muli %select_n3A_438, %mul3A_444 : vector<16xi32>
    %add3A_446 = arith.addi %mul3A_445, %iota3A : vector<16xi32>
    %mul3A_447 = arith.constant 16 : i32
    %mul3A_448 = vector.broadcast %mul3A_447 : i32 to vector<16xi32>
    %mul3A_449 = arith.muli %scan3A_421#6, %mul3A_448 : vector<16xi32>
    %add3A_450 = arith.addi %mul3A_449, %iota3A : vector<16xi32>
    %mul3A_451 = arith.constant 16 : i32
    %mul3A_452 = vector.broadcast %mul3A_451 : i32 to vector<16xi32>
    %mul3A_453 = arith.muli %scan3A_421#7, %mul3A_452 : vector<16xi32>
    %add3A_454 = arith.addi %mul3A_453, %iota3A : vector<16xi32>
    %gt3A_455 = arith.cmpf ogt, %select_n3A_435, %select_n3A_427 : vector<16xf32>
    %eq3A_456 = arith.cmpf oeq, %select_n3A_435, %select_n3A_427 : vector<16xf32>
    %lt3A_457 = arith.cmpi slt, %add3A_446, %add3A_442 : vector<16xi32>
    %and3A_458 = arith.andi %eq3A_456, %lt3A_457 : vector<16xi1>
    %or3A_459 = arith.ori %gt3A_455, %and3A_458 : vector<16xi1>
    %select_n3A_460 = arith.select %or3A_459, %select_n3A_435, %select_n3A_427 : vector<16xi1>, vector<16xf32>
    %select_n3A_461 = arith.select %or3A_459, %add3A_446, %add3A_442 : vector<16xi1>, vector<16xi32>
    %gt3A_462 = arith.cmpf ogt, %scan3A_421#3, %scan3A_421#2 : vector<16xf32>
    %eq3A_463 = arith.cmpf oeq, %scan3A_421#3, %scan3A_421#2 : vector<16xf32>
    %lt3A_464 = arith.cmpi slt, %add3A_454, %add3A_450 : vector<16xi32>
    %and3A_465 = arith.andi %eq3A_463, %lt3A_464 : vector<16xi1>
    %or3A_466 = arith.ori %gt3A_462, %and3A_465 : vector<16xi1>
    %select_n3A_467 = arith.select %or3A_466, %scan3A_421#3, %scan3A_421#2 : vector<16xi1>, vector<16xf32>
    %select_n3A_468 = arith.select %or3A_466, %add3A_454, %add3A_450 : vector<16xi1>, vector<16xi32>
    %gt3A_469 = arith.cmpf ogt, %select_n3A_467, %select_n3A_460 : vector<16xf32>
    %eq3A_470 = arith.cmpf oeq, %select_n3A_467, %select_n3A_460 : vector<16xf32>
    %lt3A_471 = arith.cmpi slt, %select_n3A_468, %select_n3A_461 : vector<16xi32>
    %and3A_472 = arith.andi %eq3A_470, %lt3A_471 : vector<16xi1>
    %or3A_473 = arith.ori %gt3A_469, %and3A_472 : vector<16xi1>
    %select_n3A_474 = arith.select %or3A_473, %select_n3A_467, %select_n3A_460 : vector<16xi1>, vector<16xf32>
    %select_n3A_475 = arith.select %or3A_473, %select_n3A_468, %select_n3A_461 : vector<16xi1>, vector<16xi32>
    %get3A_476 = arith.constant 3984 : index
    %get3A_477 = tpu.vector_load %arg5[%get3A_476] {strides = array<i32>} : memref<8000xf32, #tpu.memory_space<vmem>>, vector<16xf32>,
    %get3A_478 = vector.shape_cast %get3A_477 : vector<16xf32> to vector<16xf32>
    %add3A_479 = arith.constant 984 : i32
    %add3A_480 = vector.broadcast %add3A_479 : i32 to vector<16xi32>
    %add3A_481 = arith.addi %iota3A, %add3A_480 : vector<16xi32>
    %gt3A_482 = arith.cmpf ogt, %get3A_478, %select_n3A_474 : vector<16xf32>
    %eq3A_483 = arith.cmpf oeq, %get3A_478, %select_n3A_474 : vector<16xf32>
    %lt3A_484 = arith.cmpi slt, %add3A_481, %select_n3A_475 : vector<16xi32>
    %and3A_485 = arith.andi %eq3A_483, %lt3A_484 : vector<16xi1>
    %or3A_486 = arith.ori %gt3A_482, %and3A_485 : vector<16xi1>
    %select_n3A_487 = arith.select %or3A_486, %get3A_478, %select_n3A_474 : vector<16xi1>, vector<16xf32>
    %select_n3A_488 = arith.select %or3A_486, %add3A_481, %select_n3A_475 : vector<16xi1>, vector<16xi32>
    %xor3A_489 = arith.constant 8 : i32
    %xor3A_490 = vector.broadcast %xor3A_489 : i32 to vector<16xi32>
    %xor3A_491 = arith.xori %iota3A, %xor3A_490 : vector<16xi32>
    %broadcast_in_dim3A_492 = vector.shape_cast %xor3A_491 : vector<16xi32> to vector<16x1xi32>
    %gather3A_493 = vector.shape_cast %broadcast_in_dim3A_492 : vector<16x1xi32> to vector<16xi32>
    %gather3A_494 = tpu.dynamic_gather %select_n3A_487[%gather3A_493] in [0] : vector<16xf32>, vector<16xi32> -> vector<16xf32>
    %max3A_495 = arith.maximumf %select_n3A_487, %gather3A_494 : vector<16xf32>
    %xor3A_496 = arith.constant 4 : i32
    %xor3A_497 = vector.broadcast %xor3A_496 : i32 to vector<16xi32>
    %xor3A_498 = arith.xori %iota3A, %xor3A_497 : vector<16xi32>
    %broadcast_in_dim3A_499 = vector.shape_cast %xor3A_498 : vector<16xi32> to vector<16x1xi32>
    %gather3A_500 = vector.shape_cast %broadcast_in_dim3A_499 : vector<16x1xi32> to vector<16xi32>
    %gather3A_501 = tpu.dynamic_gather %max3A_495[%gather3A_500] in [0] : vector<16xf32>, vector<16xi32> -> vector<16xf32>
    %max3A_502 = arith.maximumf %max3A_495, %gather3A_501 : vector<16xf32>
    %xor3A_503 = arith.constant 2 : i32
    %xor3A_504 = vector.broadcast %xor3A_503 : i32 to vector<16xi32>
    %xor3A_505 = arith.xori %iota3A, %xor3A_504 : vector<16xi32>
    %broadcast_in_dim3A_506 = vector.shape_cast %xor3A_505 : vector<16xi32> to vector<16x1xi32>
    %gather3A_507 = vector.shape_cast %broadcast_in_dim3A_506 : vector<16x1xi32> to vector<16xi32>
    %gather3A_508 = tpu.dynamic_gather %max3A_502[%gather3A_507] in [0] : vector<16xf32>, vector<16xi32> -> vector<16xf32>
    %max3A_509 = arith.maximumf %max3A_502, %gather3A_508 : vector<16xf32>
    %xor3A_510 = arith.constant 1 : i32
    %xor3A_511 = vector.broadcast %xor3A_510 : i32 to vector<16xi32>
    %xor3A_512 = arith.xori %iota3A, %xor3A_511 : vector<16xi32>
    %broadcast_in_dim3A_513 = vector.shape_cast %xor3A_512 : vector<16xi32> to vector<16x1xi32>
    %gather3A_514 = vector.shape_cast %broadcast_in_dim3A_513 : vector<16x1xi32> to vector<16xi32>
    %gather3A_515 = tpu.dynamic_gather %max3A_509[%gather3A_514] in [0] : vector<16xf32>, vector<16xi32> -> vector<16xf32>
    %max3A_516 = arith.maximumf %max3A_509, %gather3A_515 : vector<16xf32>
    %eq3A_517 = arith.cmpf oeq, %select_n3A_487, %max3A_516 : vector<16xf32>
    %jit3A_518 = arith.constant 1000 : i32
    %broadcast_in_dim3A_519 = vector.broadcast %jit3A_518 : i32 to vector<16xi32>
    %select_n3A_520 = arith.select %eq3A_517, %select_n3A_488, %broadcast_in_dim3A_519 : vector<16xi1>, vector<16xi32>
    %xor3A_521 = arith.constant 8 : i32
    %xor3A_522 = vector.broadcast %xor3A_521 : i32 to vector<16xi32>
    %xor3A_523 = arith.xori %iota3A, %xor3A_522 : vector<16xi32>
    %broadcast_in_dim3A_524 = vector.shape_cast %xor3A_523 : vector<16xi32> to vector<16x1xi32>
    %gather3A_525 = vector.shape_cast %broadcast_in_dim3A_524 : vector<16x1xi32> to vector<16xi32>
    %gather3A_526 = tpu.dynamic_gather %select_n3A_520[%gather3A_525] in [0] : vector<16xi32>, vector<16xi32> -> vector<16xi32>
    %min3A_527 = arith.minsi %select_n3A_520, %gather3A_526 : vector<16xi32>
    %xor3A_528 = arith.constant 4 : i32
    %xor3A_529 = vector.broadcast %xor3A_528 : i32 to vector<16xi32>
    %xor3A_530 = arith.xori %iota3A, %xor3A_529 : vector<16xi32>
    %broadcast_in_dim3A_531 = vector.shape_cast %xor3A_530 : vector<16xi32> to vector<16x1xi32>
    %gather3A_532 = vector.shape_cast %broadcast_in_dim3A_531 : vector<16x1xi32> to vector<16xi32>
    %gather3A_533 = tpu.dynamic_gather %min3A_527[%gather3A_532] in [0] : vector<16xi32>, vector<16xi32> -> vector<16xi32>
    %min3A_534 = arith.minsi %min3A_527, %gather3A_533 : vector<16xi32>
    %xor3A_535 = arith.constant 2 : i32
    %xor3A_536 = vector.broadcast %xor3A_535 : i32 to vector<16xi32>
    %xor3A_537 = arith.xori %iota3A, %xor3A_536 : vector<16xi32>
    %broadcast_in_dim3A_538 = vector.shape_cast %xor3A_537 : vector<16xi32> to vector<16x1xi32>
    %gather3A_539 = vector.shape_cast %broadcast_in_dim3A_538 : vector<16x1xi32> to vector<16xi32>
    %gather3A_540 = tpu.dynamic_gather %min3A_534[%gather3A_539] in [0] : vector<16xi32>, vector<16xi32> -> vector<16xi32>
    %min3A_541 = arith.minsi %min3A_534, %gather3A_540 : vector<16xi32>
    %xor3A_542 = arith.constant 1 : i32
    %xor3A_543 = vector.broadcast %xor3A_542 : i32 to vector<16xi32>
    %xor3A_544 = arith.xori %iota3A, %xor3A_543 : vector<16xi32>
    %broadcast_in_dim3A_545 = vector.shape_cast %xor3A_544 : vector<16xi32> to vector<16x1xi32>
    %gather3A_546 = vector.shape_cast %broadcast_in_dim3A_545 : vector<16x1xi32> to vector<16xi32>
    %gather3A_547 = tpu.dynamic_gather %min3A_541[%gather3A_546] in [0] : vector<16xi32>, vector<16xi32> -> vector<16xi32>
    %min3A_548 = arith.minsi %min3A_541, %gather3A_547 : vector<16xi32>
    %eq3A_549 = arith.constant 3 : i32
    %eq3A_550 = vector.broadcast %eq3A_549 : i32 to vector<16xi32>
    %eq3A_551 = arith.cmpi eq, %iota3A, %eq3A_550 : vector<16xi32>
    %select_n3A_552 = arith.select %eq3A_551, %min3A_548, %select_n3A_412 : vector<16xi1>, vector<16xi32>
    %broadcast_in_dim3A_553 = arith.constant 0xFF800000 : f32
    %broadcast_in_dim3A_554 = vector.broadcast %broadcast_in_dim3A_553 : f32 to vector<16xf32>
    %broadcast_in_dim3A_555 = arith.constant 0 : i32
    %broadcast_in_dim3A_556 = vector.broadcast %broadcast_in_dim3A_555 : i32 to vector<16xi32>
    %scan3A_557 = arith.constant 0 : i32
    %scan3A_558 = arith.constant 15 : i32
    %scan3A_559 = arith.addi %scan3A_557, %scan3A_558 : i32
    %scan3A_560 = arith.constant 1 : i32
    %scan3A_561:8 = scf.for %scan3A_1124 = %scan3A_557 to %scan3A_559 step %scan3A_560 iter_args(%scan3A_1125 = %broadcast_in_dim3A_554, %scan3A_1126 = %broadcast_in_dim3A_554, %scan3A_1127 = %broadcast_in_dim3A_554, %scan3A_1128 = %broadcast_in_dim3A_554, %scan3A_1129 = %broadcast_in_dim3A_556, %scan3A_1130 = %broadcast_in_dim3A_556, %scan3A_1131 = %broadcast_in_dim3A_556, %scan3A_1132 = %broadcast_in_dim3A_556) -> (vector<16xf32>, vector<16xf32>, vector<16xf32>, vector<16xf32>, vector<16xi32>, vector<16xi32>, vector<16xi32>, vector<16xi32>)  : i32 {
      %mul3A_1133 = arith.constant 4 : i32
      %mul3A_1134 = arith.muli %scan3A_1124, %mul3A_1133 : i32
      %add3A_1135 = arith.constant 0 : i32
      %add3A_1136 = arith.addi %mul3A_1134, %add3A_1135 : i32
      %mul3A_1137 = arith.constant 16 : i32
      %mul3A_1138 = arith.muli %add3A_1136, %mul3A_1137 : i32
      %add3A_1139 = arith.constant 4000 : i32
      %add3A_1140 = arith.addi %add3A_1139, %mul3A_1138 : i32
      %get3A_1141 = arith.index_cast %add3A_1140 : i32 to index
      %get3A_1142 = tpu.vector_load %arg5[%get3A_1141] {strides = array<i32>} : memref<8000xf32, #tpu.memory_space<vmem>>, vector<16xf32>,
      %get3A_1143 = vector.shape_cast %get3A_1142 : vector<16xf32> to vector<16xf32>
      %gt3A_1144 = arith.cmpf ogt, %get3A_1143, %scan3A_1125 : vector<16xf32>
      %select_n3A_1145 = arith.select %gt3A_1144, %get3A_1143, %scan3A_1125 : vector<16xi1>, vector<16xf32>
      %broadcast_in_dim3A_1146 = vector.broadcast %add3A_1136 : i32 to vector<16xi32>
      %select_n3A_1147 = arith.select %gt3A_1144, %broadcast_in_dim3A_1146, %scan3A_1129 : vector<16xi1>, vector<16xi32>
      %add3A_1148 = arith.constant 1 : i32
      %add3A_1149 = arith.addi %mul3A_1134, %add3A_1148 : i32
      %mul3A_1150 = arith.constant 16 : i32
      %mul3A_1151 = arith.muli %add3A_1149, %mul3A_1150 : i32
      %add3A_1152 = arith.constant 4000 : i32
      %add3A_1153 = arith.addi %add3A_1152, %mul3A_1151 : i32
      %get3A_1154 = arith.index_cast %add3A_1153 : i32 to index
      %get3A_1155 = tpu.vector_load %arg5[%get3A_1154] {strides = array<i32>} : memref<8000xf32, #tpu.memory_space<vmem>>, vector<16xf32>,
      %get3A_1156 = vector.shape_cast %get3A_1155 : vector<16xf32> to vector<16xf32>
      %gt3A_1157 = arith.cmpf ogt, %get3A_1156, %scan3A_1126 : vector<16xf32>
      %select_n3A_1158 = arith.select %gt3A_1157, %get3A_1156, %scan3A_1126 : vector<16xi1>, vector<16xf32>
      %broadcast_in_dim3A_1159 = vector.broadcast %add3A_1149 : i32 to vector<16xi32>
      %select_n3A_1160 = arith.select %gt3A_1157, %broadcast_in_dim3A_1159, %scan3A_1130 : vector<16xi1>, vector<16xi32>
      %add3A_1161 = arith.constant 2 : i32
      %add3A_1162 = arith.addi %mul3A_1134, %add3A_1161 : i32
      %mul3A_1163 = arith.constant 16 : i32
      %mul3A_1164 = arith.muli %add3A_1162, %mul3A_1163 : i32
      %add3A_1165 = arith.constant 4000 : i32
      %add3A_1166 = arith.addi %add3A_1165, %mul3A_1164 : i32
      %get3A_1167 = arith.index_cast %add3A_1166 : i32 to index
      %get3A_1168 = tpu.vector_load %arg5[%get3A_1167] {strides = array<i32>} : memref<8000xf32, #tpu.memory_space<vmem>>, vector<16xf32>,
      %get3A_1169 = vector.shape_cast %get3A_1168 : vector<16xf32> to vector<16xf32>
      %gt3A_1170 = arith.cmpf ogt, %get3A_1169, %scan3A_1127 : vector<16xf32>
      %select_n3A_1171 = arith.select %gt3A_1170, %get3A_1169, %scan3A_1127 : vector<16xi1>, vector<16xf32>
      %broadcast_in_dim3A_1172 = vector.broadcast %add3A_1162 : i32 to vector<16xi32>
      %select_n3A_1173 = arith.select %gt3A_1170, %broadcast_in_dim3A_1172, %scan3A_1131 : vector<16xi1>, vector<16xi32>
      %add3A_1174 = arith.constant 3 : i32
      %add3A_1175 = arith.addi %mul3A_1134, %add3A_1174 : i32
      %mul3A_1176 = arith.constant 16 : i32
      %mul3A_1177 = arith.muli %add3A_1175, %mul3A_1176 : i32
      %add3A_1178 = arith.constant 4000 : i32
      %add3A_1179 = arith.addi %add3A_1178, %mul3A_1177 : i32
      %get3A_1180 = arith.index_cast %add3A_1179 : i32 to index
      %get3A_1181 = tpu.vector_load %arg5[%get3A_1180] {strides = array<i32>} : memref<8000xf32, #tpu.memory_space<vmem>>, vector<16xf32>,
      %get3A_1182 = vector.shape_cast %get3A_1181 : vector<16xf32> to vector<16xf32>
      %gt3A_1183 = arith.cmpf ogt, %get3A_1182, %scan3A_1128 : vector<16xf32>
      %select_n3A_1184 = arith.select %gt3A_1183, %get3A_1182, %scan3A_1128 : vector<16xi1>, vector<16xf32>
      %broadcast_in_dim3A_1185 = vector.broadcast %add3A_1175 : i32 to vector<16xi32>
      %select_n3A_1186 = arith.select %gt3A_1183, %broadcast_in_dim3A_1185, %scan3A_1132 : vector<16xi1>, vector<16xi32>
      scf.yield %select_n3A_1145, %select_n3A_1158, %select_n3A_1171, %select_n3A_1184, %select_n3A_1147, %select_n3A_1160, %select_n3A_1173, %select_n3A_1186 : vector<16xf32>, vector<16xf32>, vector<16xf32>, vector<16xf32>, vector<16xi32>, vector<16xi32>, vector<16xi32>, vector<16xi32>
    }
    %scan3A_562 = arith.constant 15 : i32
    %get3A_563 = arith.constant 4960 : index
    %get3A_564 = tpu.vector_load %arg5[%get3A_563] {strides = array<i32>} : memref<8000xf32, #tpu.memory_space<vmem>>, vector<16xf32>,
    %get3A_565 = vector.shape_cast %get3A_564 : vector<16xf32> to vector<16xf32>
    %gt3A_566 = arith.cmpf ogt, %get3A_565, %scan3A_561#0 : vector<16xf32>
    %select_n3A_567 = arith.select %gt3A_566, %get3A_565, %scan3A_561#0 : vector<16xi1>, vector<16xf32>
    %jit3A_568 = arith.constant 60 : i32
    %broadcast_in_dim3A_569 = vector.broadcast %jit3A_568 : i32 to vector<16xi32>
    %select_n3A_570 = arith.select %gt3A_566, %broadcast_in_dim3A_569, %scan3A_561#4 : vector<16xi1>, vector<16xi32>
    %get3A_571 = arith.constant 4976 : index
    %get3A_572 = tpu.vector_load %arg5[%get3A_571] {strides = array<i32>} : memref<8000xf32, #tpu.memory_space<vmem>>, vector<16xf32>,
    %get3A_573 = vector.shape_cast %get3A_572 : vector<16xf32> to vector<16xf32>
    %gt3A_574 = arith.cmpf ogt, %get3A_573, %scan3A_561#1 : vector<16xf32>
    %select_n3A_575 = arith.select %gt3A_574, %get3A_573, %scan3A_561#1 : vector<16xi1>, vector<16xf32>
    %jit3A_576 = arith.constant 61 : i32
    %broadcast_in_dim3A_577 = vector.broadcast %jit3A_576 : i32 to vector<16xi32>
    %select_n3A_578 = arith.select %gt3A_574, %broadcast_in_dim3A_577, %scan3A_561#5 : vector<16xi1>, vector<16xi32>
    %mul3A_579 = arith.constant 16 : i32
    %mul3A_580 = vector.broadcast %mul3A_579 : i32 to vector<16xi32>
    %mul3A_581 = arith.muli %select_n3A_570, %mul3A_580 : vector<16xi32>
    %add3A_582 = arith.addi %mul3A_581, %iota3A : vector<16xi32>
    %mul3A_583 = arith.constant 16 : i32
    %mul3A_584 = vector.broadcast %mul3A_583 : i32 to vector<16xi32>
    %mul3A_585 = arith.muli %select_n3A_578, %mul3A_584 : vector<16xi32>
    %add3A_586 = arith.addi %mul3A_585, %iota3A : vector<16xi32>
    %mul3A_587 = arith.constant 16 : i32
    %mul3A_588 = vector.broadcast %mul3A_587 : i32 to vector<16xi32>
    %mul3A_589 = arith.muli %scan3A_561#6, %mul3A_588 : vector<16xi32>
    %add3A_590 = arith.addi %mul3A_589, %iota3A : vector<16xi32>
    %mul3A_591 = arith.constant 16 : i32
    %mul3A_592 = vector.broadcast %mul3A_591 : i32 to vector<16xi32>
    %mul3A_593 = arith.muli %scan3A_561#7, %mul3A_592 : vector<16xi32>
    %add3A_594 = arith.addi %mul3A_593, %iota3A : vector<16xi32>
    %gt3A_595 = arith.cmpf ogt, %select_n3A_575, %select_n3A_567 : vector<16xf32>
    %eq3A_596 = arith.cmpf oeq, %select_n3A_575, %select_n3A_567 : vector<16xf32>
    %lt3A_597 = arith.cmpi slt, %add3A_586, %add3A_582 : vector<16xi32>
    %and3A_598 = arith.andi %eq3A_596, %lt3A_597 : vector<16xi1>
    %or3A_599 = arith.ori %gt3A_595, %and3A_598 : vector<16xi1>
    %select_n3A_600 = arith.select %or3A_599, %select_n3A_575, %select_n3A_567 : vector<16xi1>, vector<16xf32>
    %select_n3A_601 = arith.select %or3A_599, %add3A_586, %add3A_582 : vector<16xi1>, vector<16xi32>
    %gt3A_602 = arith.cmpf ogt, %scan3A_561#3, %scan3A_561#2 : vector<16xf32>
    %eq3A_603 = arith.cmpf oeq, %scan3A_561#3, %scan3A_561#2 : vector<16xf32>
    %lt3A_604 = arith.cmpi slt, %add3A_594, %add3A_590 : vector<16xi32>
    %and3A_605 = arith.andi %eq3A_603, %lt3A_604 : vector<16xi1>
    %or3A_606 = arith.ori %gt3A_602, %and3A_605 : vector<16xi1>
    %select_n3A_607 = arith.select %or3A_606, %scan3A_561#3, %scan3A_561#2 : vector<16xi1>, vector<16xf32>
    %select_n3A_608 = arith.select %or3A_606, %add3A_594, %add3A_590 : vector<16xi1>, vector<16xi32>
    %gt3A_609 = arith.cmpf ogt, %select_n3A_607, %select_n3A_600 : vector<16xf32>
    %eq3A_610 = arith.cmpf oeq, %select_n3A_607, %select_n3A_600 : vector<16xf32>
    %lt3A_611 = arith.cmpi slt, %select_n3A_608, %select_n3A_601 : vector<16xi32>
    %and3A_612 = arith.andi %eq3A_610, %lt3A_611 : vector<16xi1>
    %or3A_613 = arith.ori %gt3A_609, %and3A_612 : vector<16xi1>
    %select_n3A_614 = arith.select %or3A_613, %select_n3A_607, %select_n3A_600 : vector<16xi1>, vector<16xf32>
    %select_n3A_615 = arith.select %or3A_613, %select_n3A_608, %select_n3A_601 : vector<16xi1>, vector<16xi32>
    %get3A_616 = arith.constant 4984 : index
    %get3A_617 = tpu.vector_load %arg5[%get3A_616] {strides = array<i32>} : memref<8000xf32, #tpu.memory_space<vmem>>, vector<16xf32>,
    %get3A_618 = vector.shape_cast %get3A_617 : vector<16xf32> to vector<16xf32>
    %add3A_619 = arith.constant 984 : i32
    %add3A_620 = vector.broadcast %add3A_619 : i32 to vector<16xi32>
    %add3A_621 = arith.addi %iota3A, %add3A_620 : vector<16xi32>
    %gt3A_622 = arith.cmpf ogt, %get3A_618, %select_n3A_614 : vector<16xf32>
    %eq3A_623 = arith.cmpf oeq, %get3A_618, %select_n3A_614 : vector<16xf32>
    %lt3A_624 = arith.cmpi slt, %add3A_621, %select_n3A_615 : vector<16xi32>
    %and3A_625 = arith.andi %eq3A_623, %lt3A_624 : vector<16xi1>
    %or3A_626 = arith.ori %gt3A_622, %and3A_625 : vector<16xi1>
    %select_n3A_627 = arith.select %or3A_626, %get3A_618, %select_n3A_614 : vector<16xi1>, vector<16xf32>
    %select_n3A_628 = arith.select %or3A_626, %add3A_621, %select_n3A_615 : vector<16xi1>, vector<16xi32>
    %xor3A_629 = arith.constant 8 : i32
    %xor3A_630 = vector.broadcast %xor3A_629 : i32 to vector<16xi32>
    %xor3A_631 = arith.xori %iota3A, %xor3A_630 : vector<16xi32>
    %broadcast_in_dim3A_632 = vector.shape_cast %xor3A_631 : vector<16xi32> to vector<16x1xi32>
    %gather3A_633 = vector.shape_cast %broadcast_in_dim3A_632 : vector<16x1xi32> to vector<16xi32>
    %gather3A_634 = tpu.dynamic_gather %select_n3A_627[%gather3A_633] in [0] : vector<16xf32>, vector<16xi32> -> vector<16xf32>
    %max3A_635 = arith.maximumf %select_n3A_627, %gather3A_634 : vector<16xf32>
    %xor3A_636 = arith.constant 4 : i32
    %xor3A_637 = vector.broadcast %xor3A_636 : i32 to vector<16xi32>
    %xor3A_638 = arith.xori %iota3A, %xor3A_637 : vector<16xi32>
    %broadcast_in_dim3A_639 = vector.shape_cast %xor3A_638 : vector<16xi32> to vector<16x1xi32>
    %gather3A_640 = vector.shape_cast %broadcast_in_dim3A_639 : vector<16x1xi32> to vector<16xi32>
    %gather3A_641 = tpu.dynamic_gather %max3A_635[%gather3A_640] in [0] : vector<16xf32>, vector<16xi32> -> vector<16xf32>
    %max3A_642 = arith.maximumf %max3A_635, %gather3A_641 : vector<16xf32>
    %xor3A_643 = arith.constant 2 : i32
    %xor3A_644 = vector.broadcast %xor3A_643 : i32 to vector<16xi32>
    %xor3A_645 = arith.xori %iota3A, %xor3A_644 : vector<16xi32>
    %broadcast_in_dim3A_646 = vector.shape_cast %xor3A_645 : vector<16xi32> to vector<16x1xi32>
    %gather3A_647 = vector.shape_cast %broadcast_in_dim3A_646 : vector<16x1xi32> to vector<16xi32>
    %gather3A_648 = tpu.dynamic_gather %max3A_642[%gather3A_647] in [0] : vector<16xf32>, vector<16xi32> -> vector<16xf32>
    %max3A_649 = arith.maximumf %max3A_642, %gather3A_648 : vector<16xf32>
    %xor3A_650 = arith.constant 1 : i32
    %xor3A_651 = vector.broadcast %xor3A_650 : i32 to vector<16xi32>
    %xor3A_652 = arith.xori %iota3A, %xor3A_651 : vector<16xi32>
    %broadcast_in_dim3A_653 = vector.shape_cast %xor3A_652 : vector<16xi32> to vector<16x1xi32>
    %gather3A_654 = vector.shape_cast %broadcast_in_dim3A_653 : vector<16x1xi32> to vector<16xi32>
    %gather3A_655 = tpu.dynamic_gather %max3A_649[%gather3A_654] in [0] : vector<16xf32>, vector<16xi32> -> vector<16xf32>
    %max3A_656 = arith.maximumf %max3A_649, %gather3A_655 : vector<16xf32>
    %eq3A_657 = arith.cmpf oeq, %select_n3A_627, %max3A_656 : vector<16xf32>
    %jit3A_658 = arith.constant 1000 : i32
    %broadcast_in_dim3A_659 = vector.broadcast %jit3A_658 : i32 to vector<16xi32>
    %select_n3A_660 = arith.select %eq3A_657, %select_n3A_628, %broadcast_in_dim3A_659 : vector<16xi1>, vector<16xi32>
    %xor3A_661 = arith.constant 8 : i32
    %xor3A_662 = vector.broadcast %xor3A_661 : i32 to vector<16xi32>
    %xor3A_663 = arith.xori %iota3A, %xor3A_662 : vector<16xi32>
    %broadcast_in_dim3A_664 = vector.shape_cast %xor3A_663 : vector<16xi32> to vector<16x1xi32>
    %gather3A_665 = vector.shape_cast %broadcast_in_dim3A_664 : vector<16x1xi32> to vector<16xi32>
    %gather3A_666 = tpu.dynamic_gather %select_n3A_660[%gather3A_665] in [0] : vector<16xi32>, vector<16xi32> -> vector<16xi32>
    %min3A_667 = arith.minsi %select_n3A_660, %gather3A_666 : vector<16xi32>
    %xor3A_668 = arith.constant 4 : i32
    %xor3A_669 = vector.broadcast %xor3A_668 : i32 to vector<16xi32>
    %xor3A_670 = arith.xori %iota3A, %xor3A_669 : vector<16xi32>
    %broadcast_in_dim3A_671 = vector.shape_cast %xor3A_670 : vector<16xi32> to vector<16x1xi32>
    %gather3A_672 = vector.shape_cast %broadcast_in_dim3A_671 : vector<16x1xi32> to vector<16xi32>
    %gather3A_673 = tpu.dynamic_gather %min3A_667[%gather3A_672] in [0] : vector<16xi32>, vector<16xi32> -> vector<16xi32>
    %min3A_674 = arith.minsi %min3A_667, %gather3A_673 : vector<16xi32>
    %xor3A_675 = arith.constant 2 : i32
    %xor3A_676 = vector.broadcast %xor3A_675 : i32 to vector<16xi32>
    %xor3A_677 = arith.xori %iota3A, %xor3A_676 : vector<16xi32>
    %broadcast_in_dim3A_678 = vector.shape_cast %xor3A_677 : vector<16xi32> to vector<16x1xi32>
    %gather3A_679 = vector.shape_cast %broadcast_in_dim3A_678 : vector<16x1xi32> to vector<16xi32>
    %gather3A_680 = tpu.dynamic_gather %min3A_674[%gather3A_679] in [0] : vector<16xi32>, vector<16xi32> -> vector<16xi32>
    %min3A_681 = arith.minsi %min3A_674, %gather3A_680 : vector<16xi32>
    %xor3A_682 = arith.constant 1 : i32
    %xor3A_683 = vector.broadcast %xor3A_682 : i32 to vector<16xi32>
    %xor3A_684 = arith.xori %iota3A, %xor3A_683 : vector<16xi32>
    %broadcast_in_dim3A_685 = vector.shape_cast %xor3A_684 : vector<16xi32> to vector<16x1xi32>
    %gather3A_686 = vector.shape_cast %broadcast_in_dim3A_685 : vector<16x1xi32> to vector<16xi32>
    %gather3A_687 = tpu.dynamic_gather %min3A_681[%gather3A_686] in [0] : vector<16xi32>, vector<16xi32> -> vector<16xi32>
    %min3A_688 = arith.minsi %min3A_681, %gather3A_687 : vector<16xi32>
    %eq3A_689 = arith.constant 4 : i32
    %eq3A_690 = vector.broadcast %eq3A_689 : i32 to vector<16xi32>
    %eq3A_691 = arith.cmpi eq, %iota3A, %eq3A_690 : vector<16xi32>
    %select_n3A_692 = arith.select %eq3A_691, %min3A_688, %select_n3A_552 : vector<16xi1>, vector<16xi32>
    %broadcast_in_dim3A_693 = arith.constant 0xFF800000 : f32
    %broadcast_in_dim3A_694 = vector.broadcast %broadcast_in_dim3A_693 : f32 to vector<16xf32>
    %broadcast_in_dim3A_695 = arith.constant 0 : i32
    %broadcast_in_dim3A_696 = vector.broadcast %broadcast_in_dim3A_695 : i32 to vector<16xi32>
    %scan3A_697 = arith.constant 0 : i32
    %scan3A_698 = arith.constant 15 : i32
    %scan3A_699 = arith.addi %scan3A_697, %scan3A_698 : i32
    %scan3A_700 = arith.constant 1 : i32
    %scan3A_701:8 = scf.for %scan3A_1124 = %scan3A_697 to %scan3A_699 step %scan3A_700 iter_args(%scan3A_1125 = %broadcast_in_dim3A_694, %scan3A_1126 = %broadcast_in_dim3A_694, %scan3A_1127 = %broadcast_in_dim3A_694, %scan3A_1128 = %broadcast_in_dim3A_694, %scan3A_1129 = %broadcast_in_dim3A_696, %scan3A_1130 = %broadcast_in_dim3A_696, %scan3A_1131 = %broadcast_in_dim3A_696, %scan3A_1132 = %broadcast_in_dim3A_696) -> (vector<16xf32>, vector<16xf32>, vector<16xf32>, vector<16xf32>, vector<16xi32>, vector<16xi32>, vector<16xi32>, vector<16xi32>)  : i32 {
      %mul3A_1133 = arith.constant 4 : i32
      %mul3A_1134 = arith.muli %scan3A_1124, %mul3A_1133 : i32
      %add3A_1135 = arith.constant 0 : i32
      %add3A_1136 = arith.addi %mul3A_1134, %add3A_1135 : i32
      %mul3A_1137 = arith.constant 16 : i32
      %mul3A_1138 = arith.muli %add3A_1136, %mul3A_1137 : i32
      %add3A_1139 = arith.constant 5000 : i32
      %add3A_1140 = arith.addi %add3A_1139, %mul3A_1138 : i32
      %get3A_1141 = arith.index_cast %add3A_1140 : i32 to index
      %get3A_1142 = tpu.vector_load %arg5[%get3A_1141] {strides = array<i32>} : memref<8000xf32, #tpu.memory_space<vmem>>, vector<16xf32>,
      %get3A_1143 = vector.shape_cast %get3A_1142 : vector<16xf32> to vector<16xf32>
      %gt3A_1144 = arith.cmpf ogt, %get3A_1143, %scan3A_1125 : vector<16xf32>
      %select_n3A_1145 = arith.select %gt3A_1144, %get3A_1143, %scan3A_1125 : vector<16xi1>, vector<16xf32>
      %broadcast_in_dim3A_1146 = vector.broadcast %add3A_1136 : i32 to vector<16xi32>
      %select_n3A_1147 = arith.select %gt3A_1144, %broadcast_in_dim3A_1146, %scan3A_1129 : vector<16xi1>, vector<16xi32>
      %add3A_1148 = arith.constant 1 : i32
      %add3A_1149 = arith.addi %mul3A_1134, %add3A_1148 : i32
      %mul3A_1150 = arith.constant 16 : i32
      %mul3A_1151 = arith.muli %add3A_1149, %mul3A_1150 : i32
      %add3A_1152 = arith.constant 5000 : i32
      %add3A_1153 = arith.addi %add3A_1152, %mul3A_1151 : i32
      %get3A_1154 = arith.index_cast %add3A_1153 : i32 to index
      %get3A_1155 = tpu.vector_load %arg5[%get3A_1154] {strides = array<i32>} : memref<8000xf32, #tpu.memory_space<vmem>>, vector<16xf32>,
      %get3A_1156 = vector.shape_cast %get3A_1155 : vector<16xf32> to vector<16xf32>
      %gt3A_1157 = arith.cmpf ogt, %get3A_1156, %scan3A_1126 : vector<16xf32>
      %select_n3A_1158 = arith.select %gt3A_1157, %get3A_1156, %scan3A_1126 : vector<16xi1>, vector<16xf32>
      %broadcast_in_dim3A_1159 = vector.broadcast %add3A_1149 : i32 to vector<16xi32>
      %select_n3A_1160 = arith.select %gt3A_1157, %broadcast_in_dim3A_1159, %scan3A_1130 : vector<16xi1>, vector<16xi32>
      %add3A_1161 = arith.constant 2 : i32
      %add3A_1162 = arith.addi %mul3A_1134, %add3A_1161 : i32
      %mul3A_1163 = arith.constant 16 : i32
      %mul3A_1164 = arith.muli %add3A_1162, %mul3A_1163 : i32
      %add3A_1165 = arith.constant 5000 : i32
      %add3A_1166 = arith.addi %add3A_1165, %mul3A_1164 : i32
      %get3A_1167 = arith.index_cast %add3A_1166 : i32 to index
      %get3A_1168 = tpu.vector_load %arg5[%get3A_1167] {strides = array<i32>} : memref<8000xf32, #tpu.memory_space<vmem>>, vector<16xf32>,
      %get3A_1169 = vector.shape_cast %get3A_1168 : vector<16xf32> to vector<16xf32>
      %gt3A_1170 = arith.cmpf ogt, %get3A_1169, %scan3A_1127 : vector<16xf32>
      %select_n3A_1171 = arith.select %gt3A_1170, %get3A_1169, %scan3A_1127 : vector<16xi1>, vector<16xf32>
      %broadcast_in_dim3A_1172 = vector.broadcast %add3A_1162 : i32 to vector<16xi32>
      %select_n3A_1173 = arith.select %gt3A_1170, %broadcast_in_dim3A_1172, %scan3A_1131 : vector<16xi1>, vector<16xi32>
      %add3A_1174 = arith.constant 3 : i32
      %add3A_1175 = arith.addi %mul3A_1134, %add3A_1174 : i32
      %mul3A_1176 = arith.constant 16 : i32
      %mul3A_1177 = arith.muli %add3A_1175, %mul3A_1176 : i32
      %add3A_1178 = arith.constant 5000 : i32
      %add3A_1179 = arith.addi %add3A_1178, %mul3A_1177 : i32
      %get3A_1180 = arith.index_cast %add3A_1179 : i32 to index
      %get3A_1181 = tpu.vector_load %arg5[%get3A_1180] {strides = array<i32>} : memref<8000xf32, #tpu.memory_space<vmem>>, vector<16xf32>,
      %get3A_1182 = vector.shape_cast %get3A_1181 : vector<16xf32> to vector<16xf32>
      %gt3A_1183 = arith.cmpf ogt, %get3A_1182, %scan3A_1128 : vector<16xf32>
      %select_n3A_1184 = arith.select %gt3A_1183, %get3A_1182, %scan3A_1128 : vector<16xi1>, vector<16xf32>
      %broadcast_in_dim3A_1185 = vector.broadcast %add3A_1175 : i32 to vector<16xi32>
      %select_n3A_1186 = arith.select %gt3A_1183, %broadcast_in_dim3A_1185, %scan3A_1132 : vector<16xi1>, vector<16xi32>
      scf.yield %select_n3A_1145, %select_n3A_1158, %select_n3A_1171, %select_n3A_1184, %select_n3A_1147, %select_n3A_1160, %select_n3A_1173, %select_n3A_1186 : vector<16xf32>, vector<16xf32>, vector<16xf32>, vector<16xf32>, vector<16xi32>, vector<16xi32>, vector<16xi32>, vector<16xi32>
    }
    %scan3A_702 = arith.constant 15 : i32
    %get3A_703 = arith.constant 5960 : index
    %get3A_704 = tpu.vector_load %arg5[%get3A_703] {strides = array<i32>} : memref<8000xf32, #tpu.memory_space<vmem>>, vector<16xf32>,
    %get3A_705 = vector.shape_cast %get3A_704 : vector<16xf32> to vector<16xf32>
    %gt3A_706 = arith.cmpf ogt, %get3A_705, %scan3A_701#0 : vector<16xf32>
    %select_n3A_707 = arith.select %gt3A_706, %get3A_705, %scan3A_701#0 : vector<16xi1>, vector<16xf32>
    %jit3A_708 = arith.constant 60 : i32
    %broadcast_in_dim3A_709 = vector.broadcast %jit3A_708 : i32 to vector<16xi32>
    %select_n3A_710 = arith.select %gt3A_706, %broadcast_in_dim3A_709, %scan3A_701#4 : vector<16xi1>, vector<16xi32>
    %get3A_711 = arith.constant 5976 : index
    %get3A_712 = tpu.vector_load %arg5[%get3A_711] {strides = array<i32>} : memref<8000xf32, #tpu.memory_space<vmem>>, vector<16xf32>,
    %get3A_713 = vector.shape_cast %get3A_712 : vector<16xf32> to vector<16xf32>
    %gt3A_714 = arith.cmpf ogt, %get3A_713, %scan3A_701#1 : vector<16xf32>
    %select_n3A_715 = arith.select %gt3A_714, %get3A_713, %scan3A_701#1 : vector<16xi1>, vector<16xf32>
    %jit3A_716 = arith.constant 61 : i32
    %broadcast_in_dim3A_717 = vector.broadcast %jit3A_716 : i32 to vector<16xi32>
    %select_n3A_718 = arith.select %gt3A_714, %broadcast_in_dim3A_717, %scan3A_701#5 : vector<16xi1>, vector<16xi32>
    %mul3A_719 = arith.constant 16 : i32
    %mul3A_720 = vector.broadcast %mul3A_719 : i32 to vector<16xi32>
    %mul3A_721 = arith.muli %select_n3A_710, %mul3A_720 : vector<16xi32>
    %add3A_722 = arith.addi %mul3A_721, %iota3A : vector<16xi32>
    %mul3A_723 = arith.constant 16 : i32
    %mul3A_724 = vector.broadcast %mul3A_723 : i32 to vector<16xi32>
    %mul3A_725 = arith.muli %select_n3A_718, %mul3A_724 : vector<16xi32>
    %add3A_726 = arith.addi %mul3A_725, %iota3A : vector<16xi32>
    %mul3A_727 = arith.constant 16 : i32
    %mul3A_728 = vector.broadcast %mul3A_727 : i32 to vector<16xi32>
    %mul3A_729 = arith.muli %scan3A_701#6, %mul3A_728 : vector<16xi32>
    %add3A_730 = arith.addi %mul3A_729, %iota3A : vector<16xi32>
    %mul3A_731 = arith.constant 16 : i32
    %mul3A_732 = vector.broadcast %mul3A_731 : i32 to vector<16xi32>
    %mul3A_733 = arith.muli %scan3A_701#7, %mul3A_732 : vector<16xi32>
    %add3A_734 = arith.addi %mul3A_733, %iota3A : vector<16xi32>
    %gt3A_735 = arith.cmpf ogt, %select_n3A_715, %select_n3A_707 : vector<16xf32>
    %eq3A_736 = arith.cmpf oeq, %select_n3A_715, %select_n3A_707 : vector<16xf32>
    %lt3A_737 = arith.cmpi slt, %add3A_726, %add3A_722 : vector<16xi32>
    %and3A_738 = arith.andi %eq3A_736, %lt3A_737 : vector<16xi1>
    %or3A_739 = arith.ori %gt3A_735, %and3A_738 : vector<16xi1>
    %select_n3A_740 = arith.select %or3A_739, %select_n3A_715, %select_n3A_707 : vector<16xi1>, vector<16xf32>
    %select_n3A_741 = arith.select %or3A_739, %add3A_726, %add3A_722 : vector<16xi1>, vector<16xi32>
    %gt3A_742 = arith.cmpf ogt, %scan3A_701#3, %scan3A_701#2 : vector<16xf32>
    %eq3A_743 = arith.cmpf oeq, %scan3A_701#3, %scan3A_701#2 : vector<16xf32>
    %lt3A_744 = arith.cmpi slt, %add3A_734, %add3A_730 : vector<16xi32>
    %and3A_745 = arith.andi %eq3A_743, %lt3A_744 : vector<16xi1>
    %or3A_746 = arith.ori %gt3A_742, %and3A_745 : vector<16xi1>
    %select_n3A_747 = arith.select %or3A_746, %scan3A_701#3, %scan3A_701#2 : vector<16xi1>, vector<16xf32>
    %select_n3A_748 = arith.select %or3A_746, %add3A_734, %add3A_730 : vector<16xi1>, vector<16xi32>
    %gt3A_749 = arith.cmpf ogt, %select_n3A_747, %select_n3A_740 : vector<16xf32>
    %eq3A_750 = arith.cmpf oeq, %select_n3A_747, %select_n3A_740 : vector<16xf32>
    %lt3A_751 = arith.cmpi slt, %select_n3A_748, %select_n3A_741 : vector<16xi32>
    %and3A_752 = arith.andi %eq3A_750, %lt3A_751 : vector<16xi1>
    %or3A_753 = arith.ori %gt3A_749, %and3A_752 : vector<16xi1>
    %select_n3A_754 = arith.select %or3A_753, %select_n3A_747, %select_n3A_740 : vector<16xi1>, vector<16xf32>
    %select_n3A_755 = arith.select %or3A_753, %select_n3A_748, %select_n3A_741 : vector<16xi1>, vector<16xi32>
    %get3A_756 = arith.constant 5984 : index
    %get3A_757 = tpu.vector_load %arg5[%get3A_756] {strides = array<i32>} : memref<8000xf32, #tpu.memory_space<vmem>>, vector<16xf32>,
    %get3A_758 = vector.shape_cast %get3A_757 : vector<16xf32> to vector<16xf32>
    %add3A_759 = arith.constant 984 : i32
    %add3A_760 = vector.broadcast %add3A_759 : i32 to vector<16xi32>
    %add3A_761 = arith.addi %iota3A, %add3A_760 : vector<16xi32>
    %gt3A_762 = arith.cmpf ogt, %get3A_758, %select_n3A_754 : vector<16xf32>
    %eq3A_763 = arith.cmpf oeq, %get3A_758, %select_n3A_754 : vector<16xf32>
    %lt3A_764 = arith.cmpi slt, %add3A_761, %select_n3A_755 : vector<16xi32>
    %and3A_765 = arith.andi %eq3A_763, %lt3A_764 : vector<16xi1>
    %or3A_766 = arith.ori %gt3A_762, %and3A_765 : vector<16xi1>
    %select_n3A_767 = arith.select %or3A_766, %get3A_758, %select_n3A_754 : vector<16xi1>, vector<16xf32>
    %select_n3A_768 = arith.select %or3A_766, %add3A_761, %select_n3A_755 : vector<16xi1>, vector<16xi32>
    %xor3A_769 = arith.constant 8 : i32
    %xor3A_770 = vector.broadcast %xor3A_769 : i32 to vector<16xi32>
    %xor3A_771 = arith.xori %iota3A, %xor3A_770 : vector<16xi32>
    %broadcast_in_dim3A_772 = vector.shape_cast %xor3A_771 : vector<16xi32> to vector<16x1xi32>
    %gather3A_773 = vector.shape_cast %broadcast_in_dim3A_772 : vector<16x1xi32> to vector<16xi32>
    %gather3A_774 = tpu.dynamic_gather %select_n3A_767[%gather3A_773] in [0] : vector<16xf32>, vector<16xi32> -> vector<16xf32>
    %max3A_775 = arith.maximumf %select_n3A_767, %gather3A_774 : vector<16xf32>
    %xor3A_776 = arith.constant 4 : i32
    %xor3A_777 = vector.broadcast %xor3A_776 : i32 to vector<16xi32>
    %xor3A_778 = arith.xori %iota3A, %xor3A_777 : vector<16xi32>
    %broadcast_in_dim3A_779 = vector.shape_cast %xor3A_778 : vector<16xi32> to vector<16x1xi32>
    %gather3A_780 = vector.shape_cast %broadcast_in_dim3A_779 : vector<16x1xi32> to vector<16xi32>
    %gather3A_781 = tpu.dynamic_gather %max3A_775[%gather3A_780] in [0] : vector<16xf32>, vector<16xi32> -> vector<16xf32>
    %max3A_782 = arith.maximumf %max3A_775, %gather3A_781 : vector<16xf32>
    %xor3A_783 = arith.constant 2 : i32
    %xor3A_784 = vector.broadcast %xor3A_783 : i32 to vector<16xi32>
    %xor3A_785 = arith.xori %iota3A, %xor3A_784 : vector<16xi32>
    %broadcast_in_dim3A_786 = vector.shape_cast %xor3A_785 : vector<16xi32> to vector<16x1xi32>
    %gather3A_787 = vector.shape_cast %broadcast_in_dim3A_786 : vector<16x1xi32> to vector<16xi32>
    %gather3A_788 = tpu.dynamic_gather %max3A_782[%gather3A_787] in [0] : vector<16xf32>, vector<16xi32> -> vector<16xf32>
    %max3A_789 = arith.maximumf %max3A_782, %gather3A_788 : vector<16xf32>
    %xor3A_790 = arith.constant 1 : i32
    %xor3A_791 = vector.broadcast %xor3A_790 : i32 to vector<16xi32>
    %xor3A_792 = arith.xori %iota3A, %xor3A_791 : vector<16xi32>
    %broadcast_in_dim3A_793 = vector.shape_cast %xor3A_792 : vector<16xi32> to vector<16x1xi32>
    %gather3A_794 = vector.shape_cast %broadcast_in_dim3A_793 : vector<16x1xi32> to vector<16xi32>
    %gather3A_795 = tpu.dynamic_gather %max3A_789[%gather3A_794] in [0] : vector<16xf32>, vector<16xi32> -> vector<16xf32>
    %max3A_796 = arith.maximumf %max3A_789, %gather3A_795 : vector<16xf32>
    %eq3A_797 = arith.cmpf oeq, %select_n3A_767, %max3A_796 : vector<16xf32>
    %jit3A_798 = arith.constant 1000 : i32
    %broadcast_in_dim3A_799 = vector.broadcast %jit3A_798 : i32 to vector<16xi32>
    %select_n3A_800 = arith.select %eq3A_797, %select_n3A_768, %broadcast_in_dim3A_799 : vector<16xi1>, vector<16xi32>
    %xor3A_801 = arith.constant 8 : i32
    %xor3A_802 = vector.broadcast %xor3A_801 : i32 to vector<16xi32>
    %xor3A_803 = arith.xori %iota3A, %xor3A_802 : vector<16xi32>
    %broadcast_in_dim3A_804 = vector.shape_cast %xor3A_803 : vector<16xi32> to vector<16x1xi32>
    %gather3A_805 = vector.shape_cast %broadcast_in_dim3A_804 : vector<16x1xi32> to vector<16xi32>
    %gather3A_806 = tpu.dynamic_gather %select_n3A_800[%gather3A_805] in [0] : vector<16xi32>, vector<16xi32> -> vector<16xi32>
    %min3A_807 = arith.minsi %select_n3A_800, %gather3A_806 : vector<16xi32>
    %xor3A_808 = arith.constant 4 : i32
    %xor3A_809 = vector.broadcast %xor3A_808 : i32 to vector<16xi32>
    %xor3A_810 = arith.xori %iota3A, %xor3A_809 : vector<16xi32>
    %broadcast_in_dim3A_811 = vector.shape_cast %xor3A_810 : vector<16xi32> to vector<16x1xi32>
    %gather3A_812 = vector.shape_cast %broadcast_in_dim3A_811 : vector<16x1xi32> to vector<16xi32>
    %gather3A_813 = tpu.dynamic_gather %min3A_807[%gather3A_812] in [0] : vector<16xi32>, vector<16xi32> -> vector<16xi32>
    %min3A_814 = arith.minsi %min3A_807, %gather3A_813 : vector<16xi32>
    %xor3A_815 = arith.constant 2 : i32
    %xor3A_816 = vector.broadcast %xor3A_815 : i32 to vector<16xi32>
    %xor3A_817 = arith.xori %iota3A, %xor3A_816 : vector<16xi32>
    %broadcast_in_dim3A_818 = vector.shape_cast %xor3A_817 : vector<16xi32> to vector<16x1xi32>
    %gather3A_819 = vector.shape_cast %broadcast_in_dim3A_818 : vector<16x1xi32> to vector<16xi32>
    %gather3A_820 = tpu.dynamic_gather %min3A_814[%gather3A_819] in [0] : vector<16xi32>, vector<16xi32> -> vector<16xi32>
    %min3A_821 = arith.minsi %min3A_814, %gather3A_820 : vector<16xi32>
    %xor3A_822 = arith.constant 1 : i32
    %xor3A_823 = vector.broadcast %xor3A_822 : i32 to vector<16xi32>
    %xor3A_824 = arith.xori %iota3A, %xor3A_823 : vector<16xi32>
    %broadcast_in_dim3A_825 = vector.shape_cast %xor3A_824 : vector<16xi32> to vector<16x1xi32>
    %gather3A_826 = vector.shape_cast %broadcast_in_dim3A_825 : vector<16x1xi32> to vector<16xi32>
    %gather3A_827 = tpu.dynamic_gather %min3A_821[%gather3A_826] in [0] : vector<16xi32>, vector<16xi32> -> vector<16xi32>
    %min3A_828 = arith.minsi %min3A_821, %gather3A_827 : vector<16xi32>
    %eq3A_829 = arith.constant 5 : i32
    %eq3A_830 = vector.broadcast %eq3A_829 : i32 to vector<16xi32>
    %eq3A_831 = arith.cmpi eq, %iota3A, %eq3A_830 : vector<16xi32>
    %select_n3A_832 = arith.select %eq3A_831, %min3A_828, %select_n3A_692 : vector<16xi1>, vector<16xi32>
    %broadcast_in_dim3A_833 = arith.constant 0xFF800000 : f32
    %broadcast_in_dim3A_834 = vector.broadcast %broadcast_in_dim3A_833 : f32 to vector<16xf32>
    %broadcast_in_dim3A_835 = arith.constant 0 : i32
    %broadcast_in_dim3A_836 = vector.broadcast %broadcast_in_dim3A_835 : i32 to vector<16xi32>
    %scan3A_837 = arith.constant 0 : i32
    %scan3A_838 = arith.constant 15 : i32
    %scan3A_839 = arith.addi %scan3A_837, %scan3A_838 : i32
    %scan3A_840 = arith.constant 1 : i32
    %scan3A_841:8 = scf.for %scan3A_1124 = %scan3A_837 to %scan3A_839 step %scan3A_840 iter_args(%scan3A_1125 = %broadcast_in_dim3A_834, %scan3A_1126 = %broadcast_in_dim3A_834, %scan3A_1127 = %broadcast_in_dim3A_834, %scan3A_1128 = %broadcast_in_dim3A_834, %scan3A_1129 = %broadcast_in_dim3A_836, %scan3A_1130 = %broadcast_in_dim3A_836, %scan3A_1131 = %broadcast_in_dim3A_836, %scan3A_1132 = %broadcast_in_dim3A_836) -> (vector<16xf32>, vector<16xf32>, vector<16xf32>, vector<16xf32>, vector<16xi32>, vector<16xi32>, vector<16xi32>, vector<16xi32>)  : i32 {
      %mul3A_1133 = arith.constant 4 : i32
      %mul3A_1134 = arith.muli %scan3A_1124, %mul3A_1133 : i32
      %add3A_1135 = arith.constant 0 : i32
      %add3A_1136 = arith.addi %mul3A_1134, %add3A_1135 : i32
      %mul3A_1137 = arith.constant 16 : i32
      %mul3A_1138 = arith.muli %add3A_1136, %mul3A_1137 : i32
      %add3A_1139 = arith.constant 6000 : i32
      %add3A_1140 = arith.addi %add3A_1139, %mul3A_1138 : i32
      %get3A_1141 = arith.index_cast %add3A_1140 : i32 to index
      %get3A_1142 = tpu.vector_load %arg5[%get3A_1141] {strides = array<i32>} : memref<8000xf32, #tpu.memory_space<vmem>>, vector<16xf32>,
      %get3A_1143 = vector.shape_cast %get3A_1142 : vector<16xf32> to vector<16xf32>
      %gt3A_1144 = arith.cmpf ogt, %get3A_1143, %scan3A_1125 : vector<16xf32>
      %select_n3A_1145 = arith.select %gt3A_1144, %get3A_1143, %scan3A_1125 : vector<16xi1>, vector<16xf32>
      %broadcast_in_dim3A_1146 = vector.broadcast %add3A_1136 : i32 to vector<16xi32>
      %select_n3A_1147 = arith.select %gt3A_1144, %broadcast_in_dim3A_1146, %scan3A_1129 : vector<16xi1>, vector<16xi32>
      %add3A_1148 = arith.constant 1 : i32
      %add3A_1149 = arith.addi %mul3A_1134, %add3A_1148 : i32
      %mul3A_1150 = arith.constant 16 : i32
      %mul3A_1151 = arith.muli %add3A_1149, %mul3A_1150 : i32
      %add3A_1152 = arith.constant 6000 : i32
      %add3A_1153 = arith.addi %add3A_1152, %mul3A_1151 : i32
      %get3A_1154 = arith.index_cast %add3A_1153 : i32 to index
      %get3A_1155 = tpu.vector_load %arg5[%get3A_1154] {strides = array<i32>} : memref<8000xf32, #tpu.memory_space<vmem>>, vector<16xf32>,
      %get3A_1156 = vector.shape_cast %get3A_1155 : vector<16xf32> to vector<16xf32>
      %gt3A_1157 = arith.cmpf ogt, %get3A_1156, %scan3A_1126 : vector<16xf32>
      %select_n3A_1158 = arith.select %gt3A_1157, %get3A_1156, %scan3A_1126 : vector<16xi1>, vector<16xf32>
      %broadcast_in_dim3A_1159 = vector.broadcast %add3A_1149 : i32 to vector<16xi32>
      %select_n3A_1160 = arith.select %gt3A_1157, %broadcast_in_dim3A_1159, %scan3A_1130 : vector<16xi1>, vector<16xi32>
      %add3A_1161 = arith.constant 2 : i32
      %add3A_1162 = arith.addi %mul3A_1134, %add3A_1161 : i32
      %mul3A_1163 = arith.constant 16 : i32
      %mul3A_1164 = arith.muli %add3A_1162, %mul3A_1163 : i32
      %add3A_1165 = arith.constant 6000 : i32
      %add3A_1166 = arith.addi %add3A_1165, %mul3A_1164 : i32
      %get3A_1167 = arith.index_cast %add3A_1166 : i32 to index
      %get3A_1168 = tpu.vector_load %arg5[%get3A_1167] {strides = array<i32>} : memref<8000xf32, #tpu.memory_space<vmem>>, vector<16xf32>,
      %get3A_1169 = vector.shape_cast %get3A_1168 : vector<16xf32> to vector<16xf32>
      %gt3A_1170 = arith.cmpf ogt, %get3A_1169, %scan3A_1127 : vector<16xf32>
      %select_n3A_1171 = arith.select %gt3A_1170, %get3A_1169, %scan3A_1127 : vector<16xi1>, vector<16xf32>
      %broadcast_in_dim3A_1172 = vector.broadcast %add3A_1162 : i32 to vector<16xi32>
      %select_n3A_1173 = arith.select %gt3A_1170, %broadcast_in_dim3A_1172, %scan3A_1131 : vector<16xi1>, vector<16xi32>
      %add3A_1174 = arith.constant 3 : i32
      %add3A_1175 = arith.addi %mul3A_1134, %add3A_1174 : i32
      %mul3A_1176 = arith.constant 16 : i32
      %mul3A_1177 = arith.muli %add3A_1175, %mul3A_1176 : i32
      %add3A_1178 = arith.constant 6000 : i32
      %add3A_1179 = arith.addi %add3A_1178, %mul3A_1177 : i32
      %get3A_1180 = arith.index_cast %add3A_1179 : i32 to index
      %get3A_1181 = tpu.vector_load %arg5[%get3A_1180] {strides = array<i32>} : memref<8000xf32, #tpu.memory_space<vmem>>, vector<16xf32>,
      %get3A_1182 = vector.shape_cast %get3A_1181 : vector<16xf32> to vector<16xf32>
      %gt3A_1183 = arith.cmpf ogt, %get3A_1182, %scan3A_1128 : vector<16xf32>
      %select_n3A_1184 = arith.select %gt3A_1183, %get3A_1182, %scan3A_1128 : vector<16xi1>, vector<16xf32>
      %broadcast_in_dim3A_1185 = vector.broadcast %add3A_1175 : i32 to vector<16xi32>
      %select_n3A_1186 = arith.select %gt3A_1183, %broadcast_in_dim3A_1185, %scan3A_1132 : vector<16xi1>, vector<16xi32>
      scf.yield %select_n3A_1145, %select_n3A_1158, %select_n3A_1171, %select_n3A_1184, %select_n3A_1147, %select_n3A_1160, %select_n3A_1173, %select_n3A_1186 : vector<16xf32>, vector<16xf32>, vector<16xf32>, vector<16xf32>, vector<16xi32>, vector<16xi32>, vector<16xi32>, vector<16xi32>
    }
    %scan3A_842 = arith.constant 15 : i32
    %get3A_843 = arith.constant 6960 : index
    %get3A_844 = tpu.vector_load %arg5[%get3A_843] {strides = array<i32>} : memref<8000xf32, #tpu.memory_space<vmem>>, vector<16xf32>,
    %get3A_845 = vector.shape_cast %get3A_844 : vector<16xf32> to vector<16xf32>
    %gt3A_846 = arith.cmpf ogt, %get3A_845, %scan3A_841#0 : vector<16xf32>
    %select_n3A_847 = arith.select %gt3A_846, %get3A_845, %scan3A_841#0 : vector<16xi1>, vector<16xf32>
    %jit3A_848 = arith.constant 60 : i32
    %broadcast_in_dim3A_849 = vector.broadcast %jit3A_848 : i32 to vector<16xi32>
    %select_n3A_850 = arith.select %gt3A_846, %broadcast_in_dim3A_849, %scan3A_841#4 : vector<16xi1>, vector<16xi32>
    %get3A_851 = arith.constant 6976 : index
    %get3A_852 = tpu.vector_load %arg5[%get3A_851] {strides = array<i32>} : memref<8000xf32, #tpu.memory_space<vmem>>, vector<16xf32>,
    %get3A_853 = vector.shape_cast %get3A_852 : vector<16xf32> to vector<16xf32>
    %gt3A_854 = arith.cmpf ogt, %get3A_853, %scan3A_841#1 : vector<16xf32>
    %select_n3A_855 = arith.select %gt3A_854, %get3A_853, %scan3A_841#1 : vector<16xi1>, vector<16xf32>
    %jit3A_856 = arith.constant 61 : i32
    %broadcast_in_dim3A_857 = vector.broadcast %jit3A_856 : i32 to vector<16xi32>
    %select_n3A_858 = arith.select %gt3A_854, %broadcast_in_dim3A_857, %scan3A_841#5 : vector<16xi1>, vector<16xi32>
    %mul3A_859 = arith.constant 16 : i32
    %mul3A_860 = vector.broadcast %mul3A_859 : i32 to vector<16xi32>
    %mul3A_861 = arith.muli %select_n3A_850, %mul3A_860 : vector<16xi32>
    %add3A_862 = arith.addi %mul3A_861, %iota3A : vector<16xi32>
    %mul3A_863 = arith.constant 16 : i32
    %mul3A_864 = vector.broadcast %mul3A_863 : i32 to vector<16xi32>
    %mul3A_865 = arith.muli %select_n3A_858, %mul3A_864 : vector<16xi32>
    %add3A_866 = arith.addi %mul3A_865, %iota3A : vector<16xi32>
    %mul3A_867 = arith.constant 16 : i32
    %mul3A_868 = vector.broadcast %mul3A_867 : i32 to vector<16xi32>
    %mul3A_869 = arith.muli %scan3A_841#6, %mul3A_868 : vector<16xi32>
    %add3A_870 = arith.addi %mul3A_869, %iota3A : vector<16xi32>
    %mul3A_871 = arith.constant 16 : i32
    %mul3A_872 = vector.broadcast %mul3A_871 : i32 to vector<16xi32>
    %mul3A_873 = arith.muli %scan3A_841#7, %mul3A_872 : vector<16xi32>
    %add3A_874 = arith.addi %mul3A_873, %iota3A : vector<16xi32>
    %gt3A_875 = arith.cmpf ogt, %select_n3A_855, %select_n3A_847 : vector<16xf32>
    %eq3A_876 = arith.cmpf oeq, %select_n3A_855, %select_n3A_847 : vector<16xf32>
    %lt3A_877 = arith.cmpi slt, %add3A_866, %add3A_862 : vector<16xi32>
    %and3A_878 = arith.andi %eq3A_876, %lt3A_877 : vector<16xi1>
    %or3A_879 = arith.ori %gt3A_875, %and3A_878 : vector<16xi1>
    %select_n3A_880 = arith.select %or3A_879, %select_n3A_855, %select_n3A_847 : vector<16xi1>, vector<16xf32>
    %select_n3A_881 = arith.select %or3A_879, %add3A_866, %add3A_862 : vector<16xi1>, vector<16xi32>
    %gt3A_882 = arith.cmpf ogt, %scan3A_841#3, %scan3A_841#2 : vector<16xf32>
    %eq3A_883 = arith.cmpf oeq, %scan3A_841#3, %scan3A_841#2 : vector<16xf32>
    %lt3A_884 = arith.cmpi slt, %add3A_874, %add3A_870 : vector<16xi32>
    %and3A_885 = arith.andi %eq3A_883, %lt3A_884 : vector<16xi1>
    %or3A_886 = arith.ori %gt3A_882, %and3A_885 : vector<16xi1>
    %select_n3A_887 = arith.select %or3A_886, %scan3A_841#3, %scan3A_841#2 : vector<16xi1>, vector<16xf32>
    %select_n3A_888 = arith.select %or3A_886, %add3A_874, %add3A_870 : vector<16xi1>, vector<16xi32>
    %gt3A_889 = arith.cmpf ogt, %select_n3A_887, %select_n3A_880 : vector<16xf32>
    %eq3A_890 = arith.cmpf oeq, %select_n3A_887, %select_n3A_880 : vector<16xf32>
    %lt3A_891 = arith.cmpi slt, %select_n3A_888, %select_n3A_881 : vector<16xi32>
    %and3A_892 = arith.andi %eq3A_890, %lt3A_891 : vector<16xi1>
    %or3A_893 = arith.ori %gt3A_889, %and3A_892 : vector<16xi1>
    %select_n3A_894 = arith.select %or3A_893, %select_n3A_887, %select_n3A_880 : vector<16xi1>, vector<16xf32>
    %select_n3A_895 = arith.select %or3A_893, %select_n3A_888, %select_n3A_881 : vector<16xi1>, vector<16xi32>
    %get3A_896 = arith.constant 6984 : index
    %get3A_897 = tpu.vector_load %arg5[%get3A_896] {strides = array<i32>} : memref<8000xf32, #tpu.memory_space<vmem>>, vector<16xf32>,
    %get3A_898 = vector.shape_cast %get3A_897 : vector<16xf32> to vector<16xf32>
    %add3A_899 = arith.constant 984 : i32
    %add3A_900 = vector.broadcast %add3A_899 : i32 to vector<16xi32>
    %add3A_901 = arith.addi %iota3A, %add3A_900 : vector<16xi32>
    %gt3A_902 = arith.cmpf ogt, %get3A_898, %select_n3A_894 : vector<16xf32>
    %eq3A_903 = arith.cmpf oeq, %get3A_898, %select_n3A_894 : vector<16xf32>
    %lt3A_904 = arith.cmpi slt, %add3A_901, %select_n3A_895 : vector<16xi32>
    %and3A_905 = arith.andi %eq3A_903, %lt3A_904 : vector<16xi1>
    %or3A_906 = arith.ori %gt3A_902, %and3A_905 : vector<16xi1>
    %select_n3A_907 = arith.select %or3A_906, %get3A_898, %select_n3A_894 : vector<16xi1>, vector<16xf32>
    %select_n3A_908 = arith.select %or3A_906, %add3A_901, %select_n3A_895 : vector<16xi1>, vector<16xi32>
    %xor3A_909 = arith.constant 8 : i32
    %xor3A_910 = vector.broadcast %xor3A_909 : i32 to vector<16xi32>
    %xor3A_911 = arith.xori %iota3A, %xor3A_910 : vector<16xi32>
    %broadcast_in_dim3A_912 = vector.shape_cast %xor3A_911 : vector<16xi32> to vector<16x1xi32>
    %gather3A_913 = vector.shape_cast %broadcast_in_dim3A_912 : vector<16x1xi32> to vector<16xi32>
    %gather3A_914 = tpu.dynamic_gather %select_n3A_907[%gather3A_913] in [0] : vector<16xf32>, vector<16xi32> -> vector<16xf32>
    %max3A_915 = arith.maximumf %select_n3A_907, %gather3A_914 : vector<16xf32>
    %xor3A_916 = arith.constant 4 : i32
    %xor3A_917 = vector.broadcast %xor3A_916 : i32 to vector<16xi32>
    %xor3A_918 = arith.xori %iota3A, %xor3A_917 : vector<16xi32>
    %broadcast_in_dim3A_919 = vector.shape_cast %xor3A_918 : vector<16xi32> to vector<16x1xi32>
    %gather3A_920 = vector.shape_cast %broadcast_in_dim3A_919 : vector<16x1xi32> to vector<16xi32>
    %gather3A_921 = tpu.dynamic_gather %max3A_915[%gather3A_920] in [0] : vector<16xf32>, vector<16xi32> -> vector<16xf32>
    %max3A_922 = arith.maximumf %max3A_915, %gather3A_921 : vector<16xf32>
    %xor3A_923 = arith.constant 2 : i32
    %xor3A_924 = vector.broadcast %xor3A_923 : i32 to vector<16xi32>
    %xor3A_925 = arith.xori %iota3A, %xor3A_924 : vector<16xi32>
    %broadcast_in_dim3A_926 = vector.shape_cast %xor3A_925 : vector<16xi32> to vector<16x1xi32>
    %gather3A_927 = vector.shape_cast %broadcast_in_dim3A_926 : vector<16x1xi32> to vector<16xi32>
    %gather3A_928 = tpu.dynamic_gather %max3A_922[%gather3A_927] in [0] : vector<16xf32>, vector<16xi32> -> vector<16xf32>
    %max3A_929 = arith.maximumf %max3A_922, %gather3A_928 : vector<16xf32>
    %xor3A_930 = arith.constant 1 : i32
    %xor3A_931 = vector.broadcast %xor3A_930 : i32 to vector<16xi32>
    %xor3A_932 = arith.xori %iota3A, %xor3A_931 : vector<16xi32>
    %broadcast_in_dim3A_933 = vector.shape_cast %xor3A_932 : vector<16xi32> to vector<16x1xi32>
    %gather3A_934 = vector.shape_cast %broadcast_in_dim3A_933 : vector<16x1xi32> to vector<16xi32>
    %gather3A_935 = tpu.dynamic_gather %max3A_929[%gather3A_934] in [0] : vector<16xf32>, vector<16xi32> -> vector<16xf32>
    %max3A_936 = arith.maximumf %max3A_929, %gather3A_935 : vector<16xf32>
    %eq3A_937 = arith.cmpf oeq, %select_n3A_907, %max3A_936 : vector<16xf32>
    %jit3A_938 = arith.constant 1000 : i32
    %broadcast_in_dim3A_939 = vector.broadcast %jit3A_938 : i32 to vector<16xi32>
    %select_n3A_940 = arith.select %eq3A_937, %select_n3A_908, %broadcast_in_dim3A_939 : vector<16xi1>, vector<16xi32>
    %xor3A_941 = arith.constant 8 : i32
    %xor3A_942 = vector.broadcast %xor3A_941 : i32 to vector<16xi32>
    %xor3A_943 = arith.xori %iota3A, %xor3A_942 : vector<16xi32>
    %broadcast_in_dim3A_944 = vector.shape_cast %xor3A_943 : vector<16xi32> to vector<16x1xi32>
    %gather3A_945 = vector.shape_cast %broadcast_in_dim3A_944 : vector<16x1xi32> to vector<16xi32>
    %gather3A_946 = tpu.dynamic_gather %select_n3A_940[%gather3A_945] in [0] : vector<16xi32>, vector<16xi32> -> vector<16xi32>
    %min3A_947 = arith.minsi %select_n3A_940, %gather3A_946 : vector<16xi32>
    %xor3A_948 = arith.constant 4 : i32
    %xor3A_949 = vector.broadcast %xor3A_948 : i32 to vector<16xi32>
    %xor3A_950 = arith.xori %iota3A, %xor3A_949 : vector<16xi32>
    %broadcast_in_dim3A_951 = vector.shape_cast %xor3A_950 : vector<16xi32> to vector<16x1xi32>
    %gather3A_952 = vector.shape_cast %broadcast_in_dim3A_951 : vector<16x1xi32> to vector<16xi32>
    %gather3A_953 = tpu.dynamic_gather %min3A_947[%gather3A_952] in [0] : vector<16xi32>, vector<16xi32> -> vector<16xi32>
    %min3A_954 = arith.minsi %min3A_947, %gather3A_953 : vector<16xi32>
    %xor3A_955 = arith.constant 2 : i32
    %xor3A_956 = vector.broadcast %xor3A_955 : i32 to vector<16xi32>
    %xor3A_957 = arith.xori %iota3A, %xor3A_956 : vector<16xi32>
    %broadcast_in_dim3A_958 = vector.shape_cast %xor3A_957 : vector<16xi32> to vector<16x1xi32>
    %gather3A_959 = vector.shape_cast %broadcast_in_dim3A_958 : vector<16x1xi32> to vector<16xi32>
    %gather3A_960 = tpu.dynamic_gather %min3A_954[%gather3A_959] in [0] : vector<16xi32>, vector<16xi32> -> vector<16xi32>
    %min3A_961 = arith.minsi %min3A_954, %gather3A_960 : vector<16xi32>
    %xor3A_962 = arith.constant 1 : i32
    %xor3A_963 = vector.broadcast %xor3A_962 : i32 to vector<16xi32>
    %xor3A_964 = arith.xori %iota3A, %xor3A_963 : vector<16xi32>
    %broadcast_in_dim3A_965 = vector.shape_cast %xor3A_964 : vector<16xi32> to vector<16x1xi32>
    %gather3A_966 = vector.shape_cast %broadcast_in_dim3A_965 : vector<16x1xi32> to vector<16xi32>
    %gather3A_967 = tpu.dynamic_gather %min3A_961[%gather3A_966] in [0] : vector<16xi32>, vector<16xi32> -> vector<16xi32>
    %min3A_968 = arith.minsi %min3A_961, %gather3A_967 : vector<16xi32>
    %eq3A_969 = arith.constant 6 : i32
    %eq3A_970 = vector.broadcast %eq3A_969 : i32 to vector<16xi32>
    %eq3A_971 = arith.cmpi eq, %iota3A, %eq3A_970 : vector<16xi32>
    %select_n3A_972 = arith.select %eq3A_971, %min3A_968, %select_n3A_832 : vector<16xi1>, vector<16xi32>
    %broadcast_in_dim3A_973 = arith.constant 0xFF800000 : f32
    %broadcast_in_dim3A_974 = vector.broadcast %broadcast_in_dim3A_973 : f32 to vector<16xf32>
    %broadcast_in_dim3A_975 = arith.constant 0 : i32
    %broadcast_in_dim3A_976 = vector.broadcast %broadcast_in_dim3A_975 : i32 to vector<16xi32>
    %scan3A_977 = arith.constant 0 : i32
    %scan3A_978 = arith.constant 15 : i32
    %scan3A_979 = arith.addi %scan3A_977, %scan3A_978 : i32
    %scan3A_980 = arith.constant 1 : i32
    %scan3A_981:8 = scf.for %scan3A_1124 = %scan3A_977 to %scan3A_979 step %scan3A_980 iter_args(%scan3A_1125 = %broadcast_in_dim3A_974, %scan3A_1126 = %broadcast_in_dim3A_974, %scan3A_1127 = %broadcast_in_dim3A_974, %scan3A_1128 = %broadcast_in_dim3A_974, %scan3A_1129 = %broadcast_in_dim3A_976, %scan3A_1130 = %broadcast_in_dim3A_976, %scan3A_1131 = %broadcast_in_dim3A_976, %scan3A_1132 = %broadcast_in_dim3A_976) -> (vector<16xf32>, vector<16xf32>, vector<16xf32>, vector<16xf32>, vector<16xi32>, vector<16xi32>, vector<16xi32>, vector<16xi32>)  : i32 {
      %mul3A_1133 = arith.constant 4 : i32
      %mul3A_1134 = arith.muli %scan3A_1124, %mul3A_1133 : i32
      %add3A_1135 = arith.constant 0 : i32
      %add3A_1136 = arith.addi %mul3A_1134, %add3A_1135 : i32
      %mul3A_1137 = arith.constant 16 : i32
      %mul3A_1138 = arith.muli %add3A_1136, %mul3A_1137 : i32
      %add3A_1139 = arith.constant 7000 : i32
      %add3A_1140 = arith.addi %add3A_1139, %mul3A_1138 : i32
      %get3A_1141 = arith.index_cast %add3A_1140 : i32 to index
      %get3A_1142 = tpu.vector_load %arg5[%get3A_1141] {strides = array<i32>} : memref<8000xf32, #tpu.memory_space<vmem>>, vector<16xf32>,
      %get3A_1143 = vector.shape_cast %get3A_1142 : vector<16xf32> to vector<16xf32>
      %gt3A_1144 = arith.cmpf ogt, %get3A_1143, %scan3A_1125 : vector<16xf32>
      %select_n3A_1145 = arith.select %gt3A_1144, %get3A_1143, %scan3A_1125 : vector<16xi1>, vector<16xf32>
      %broadcast_in_dim3A_1146 = vector.broadcast %add3A_1136 : i32 to vector<16xi32>
      %select_n3A_1147 = arith.select %gt3A_1144, %broadcast_in_dim3A_1146, %scan3A_1129 : vector<16xi1>, vector<16xi32>
      %add3A_1148 = arith.constant 1 : i32
      %add3A_1149 = arith.addi %mul3A_1134, %add3A_1148 : i32
      %mul3A_1150 = arith.constant 16 : i32
      %mul3A_1151 = arith.muli %add3A_1149, %mul3A_1150 : i32
      %add3A_1152 = arith.constant 7000 : i32
      %add3A_1153 = arith.addi %add3A_1152, %mul3A_1151 : i32
      %get3A_1154 = arith.index_cast %add3A_1153 : i32 to index
      %get3A_1155 = tpu.vector_load %arg5[%get3A_1154] {strides = array<i32>} : memref<8000xf32, #tpu.memory_space<vmem>>, vector<16xf32>,
      %get3A_1156 = vector.shape_cast %get3A_1155 : vector<16xf32> to vector<16xf32>
      %gt3A_1157 = arith.cmpf ogt, %get3A_1156, %scan3A_1126 : vector<16xf32>
      %select_n3A_1158 = arith.select %gt3A_1157, %get3A_1156, %scan3A_1126 : vector<16xi1>, vector<16xf32>
      %broadcast_in_dim3A_1159 = vector.broadcast %add3A_1149 : i32 to vector<16xi32>
      %select_n3A_1160 = arith.select %gt3A_1157, %broadcast_in_dim3A_1159, %scan3A_1130 : vector<16xi1>, vector<16xi32>
      %add3A_1161 = arith.constant 2 : i32
      %add3A_1162 = arith.addi %mul3A_1134, %add3A_1161 : i32
      %mul3A_1163 = arith.constant 16 : i32
      %mul3A_1164 = arith.muli %add3A_1162, %mul3A_1163 : i32
      %add3A_1165 = arith.constant 7000 : i32
      %add3A_1166 = arith.addi %add3A_1165, %mul3A_1164 : i32
      %get3A_1167 = arith.index_cast %add3A_1166 : i32 to index
      %get3A_1168 = tpu.vector_load %arg5[%get3A_1167] {strides = array<i32>} : memref<8000xf32, #tpu.memory_space<vmem>>, vector<16xf32>,
      %get3A_1169 = vector.shape_cast %get3A_1168 : vector<16xf32> to vector<16xf32>
      %gt3A_1170 = arith.cmpf ogt, %get3A_1169, %scan3A_1127 : vector<16xf32>
      %select_n3A_1171 = arith.select %gt3A_1170, %get3A_1169, %scan3A_1127 : vector<16xi1>, vector<16xf32>
      %broadcast_in_dim3A_1172 = vector.broadcast %add3A_1162 : i32 to vector<16xi32>
      %select_n3A_1173 = arith.select %gt3A_1170, %broadcast_in_dim3A_1172, %scan3A_1131 : vector<16xi1>, vector<16xi32>
      %add3A_1174 = arith.constant 3 : i32
      %add3A_1175 = arith.addi %mul3A_1134, %add3A_1174 : i32
      %mul3A_1176 = arith.constant 16 : i32
      %mul3A_1177 = arith.muli %add3A_1175, %mul3A_1176 : i32
      %add3A_1178 = arith.constant 7000 : i32
      %add3A_1179 = arith.addi %add3A_1178, %mul3A_1177 : i32
      %get3A_1180 = arith.index_cast %add3A_1179 : i32 to index
      %get3A_1181 = tpu.vector_load %arg5[%get3A_1180] {strides = array<i32>} : memref<8000xf32, #tpu.memory_space<vmem>>, vector<16xf32>,
      %get3A_1182 = vector.shape_cast %get3A_1181 : vector<16xf32> to vector<16xf32>
      %gt3A_1183 = arith.cmpf ogt, %get3A_1182, %scan3A_1128 : vector<16xf32>
      %select_n3A_1184 = arith.select %gt3A_1183, %get3A_1182, %scan3A_1128 : vector<16xi1>, vector<16xf32>
      %broadcast_in_dim3A_1185 = vector.broadcast %add3A_1175 : i32 to vector<16xi32>
      %select_n3A_1186 = arith.select %gt3A_1183, %broadcast_in_dim3A_1185, %scan3A_1132 : vector<16xi1>, vector<16xi32>
      scf.yield %select_n3A_1145, %select_n3A_1158, %select_n3A_1171, %select_n3A_1184, %select_n3A_1147, %select_n3A_1160, %select_n3A_1173, %select_n3A_1186 : vector<16xf32>, vector<16xf32>, vector<16xf32>, vector<16xf32>, vector<16xi32>, vector<16xi32>, vector<16xi32>, vector<16xi32>
    }
    %scan3A_982 = arith.constant 15 : i32
    %get3A_983 = arith.constant 7960 : index
    %get3A_984 = tpu.vector_load %arg5[%get3A_983] {strides = array<i32>} : memref<8000xf32, #tpu.memory_space<vmem>>, vector<16xf32>,
    %get3A_985 = vector.shape_cast %get3A_984 : vector<16xf32> to vector<16xf32>
    %gt3A_986 = arith.cmpf ogt, %get3A_985, %scan3A_981#0 : vector<16xf32>
    %select_n3A_987 = arith.select %gt3A_986, %get3A_985, %scan3A_981#0 : vector<16xi1>, vector<16xf32>
    %jit3A_988 = arith.constant 60 : i32
    %broadcast_in_dim3A_989 = vector.broadcast %jit3A_988 : i32 to vector<16xi32>
    %select_n3A_990 = arith.select %gt3A_986, %broadcast_in_dim3A_989, %scan3A_981#4 : vector<16xi1>, vector<16xi32>
    %get3A_991 = arith.constant 7976 : index
    %get3A_992 = tpu.vector_load %arg5[%get3A_991] {strides = array<i32>} : memref<8000xf32, #tpu.memory_space<vmem>>, vector<16xf32>,
    %get3A_993 = vector.shape_cast %get3A_992 : vector<16xf32> to vector<16xf32>
    %gt3A_994 = arith.cmpf ogt, %get3A_993, %scan3A_981#1 : vector<16xf32>
    %select_n3A_995 = arith.select %gt3A_994, %get3A_993, %scan3A_981#1 : vector<16xi1>, vector<16xf32>
    %jit3A_996 = arith.constant 61 : i32
    %broadcast_in_dim3A_997 = vector.broadcast %jit3A_996 : i32 to vector<16xi32>
    %select_n3A_998 = arith.select %gt3A_994, %broadcast_in_dim3A_997, %scan3A_981#5 : vector<16xi1>, vector<16xi32>
    %mul3A_999 = arith.constant 16 : i32
    %mul3A_1000 = vector.broadcast %mul3A_999 : i32 to vector<16xi32>
    %mul3A_1001 = arith.muli %select_n3A_990, %mul3A_1000 : vector<16xi32>
    %add3A_1002 = arith.addi %mul3A_1001, %iota3A : vector<16xi32>
    %mul3A_1003 = arith.constant 16 : i32
    %mul3A_1004 = vector.broadcast %mul3A_1003 : i32 to vector<16xi32>
    %mul3A_1005 = arith.muli %select_n3A_998, %mul3A_1004 : vector<16xi32>
    %add3A_1006 = arith.addi %mul3A_1005, %iota3A : vector<16xi32>
    %mul3A_1007 = arith.constant 16 : i32
    %mul3A_1008 = vector.broadcast %mul3A_1007 : i32 to vector<16xi32>
    %mul3A_1009 = arith.muli %scan3A_981#6, %mul3A_1008 : vector<16xi32>
    %add3A_1010 = arith.addi %mul3A_1009, %iota3A : vector<16xi32>
    %mul3A_1011 = arith.constant 16 : i32
    %mul3A_1012 = vector.broadcast %mul3A_1011 : i32 to vector<16xi32>
    %mul3A_1013 = arith.muli %scan3A_981#7, %mul3A_1012 : vector<16xi32>
    %add3A_1014 = arith.addi %mul3A_1013, %iota3A : vector<16xi32>
    %gt3A_1015 = arith.cmpf ogt, %select_n3A_995, %select_n3A_987 : vector<16xf32>
    %eq3A_1016 = arith.cmpf oeq, %select_n3A_995, %select_n3A_987 : vector<16xf32>
    %lt3A_1017 = arith.cmpi slt, %add3A_1006, %add3A_1002 : vector<16xi32>
    %and3A_1018 = arith.andi %eq3A_1016, %lt3A_1017 : vector<16xi1>
    %or3A_1019 = arith.ori %gt3A_1015, %and3A_1018 : vector<16xi1>
    %select_n3A_1020 = arith.select %or3A_1019, %select_n3A_995, %select_n3A_987 : vector<16xi1>, vector<16xf32>
    %select_n3A_1021 = arith.select %or3A_1019, %add3A_1006, %add3A_1002 : vector<16xi1>, vector<16xi32>
    %gt3A_1022 = arith.cmpf ogt, %scan3A_981#3, %scan3A_981#2 : vector<16xf32>
    %eq3A_1023 = arith.cmpf oeq, %scan3A_981#3, %scan3A_981#2 : vector<16xf32>
    %lt3A_1024 = arith.cmpi slt, %add3A_1014, %add3A_1010 : vector<16xi32>
    %and3A_1025 = arith.andi %eq3A_1023, %lt3A_1024 : vector<16xi1>
    %or3A_1026 = arith.ori %gt3A_1022, %and3A_1025 : vector<16xi1>
    %select_n3A_1027 = arith.select %or3A_1026, %scan3A_981#3, %scan3A_981#2 : vector<16xi1>, vector<16xf32>
    %select_n3A_1028 = arith.select %or3A_1026, %add3A_1014, %add3A_1010 : vector<16xi1>, vector<16xi32>
    %gt3A_1029 = arith.cmpf ogt, %select_n3A_1027, %select_n3A_1020 : vector<16xf32>
    %eq3A_1030 = arith.cmpf oeq, %select_n3A_1027, %select_n3A_1020 : vector<16xf32>
    %lt3A_1031 = arith.cmpi slt, %select_n3A_1028, %select_n3A_1021 : vector<16xi32>
    %and3A_1032 = arith.andi %eq3A_1030, %lt3A_1031 : vector<16xi1>
    %or3A_1033 = arith.ori %gt3A_1029, %and3A_1032 : vector<16xi1>
    %select_n3A_1034 = arith.select %or3A_1033, %select_n3A_1027, %select_n3A_1020 : vector<16xi1>, vector<16xf32>
    %select_n3A_1035 = arith.select %or3A_1033, %select_n3A_1028, %select_n3A_1021 : vector<16xi1>, vector<16xi32>
    %get3A_1036 = arith.constant 7984 : index
    %get3A_1037 = tpu.vector_load %arg5[%get3A_1036] {strides = array<i32>} : memref<8000xf32, #tpu.memory_space<vmem>>, vector<16xf32>,
    %get3A_1038 = vector.shape_cast %get3A_1037 : vector<16xf32> to vector<16xf32>
    %add3A_1039 = arith.constant 984 : i32
    %add3A_1040 = vector.broadcast %add3A_1039 : i32 to vector<16xi32>
    %add3A_1041 = arith.addi %iota3A, %add3A_1040 : vector<16xi32>
    %gt3A_1042 = arith.cmpf ogt, %get3A_1038, %select_n3A_1034 : vector<16xf32>
    %eq3A_1043 = arith.cmpf oeq, %get3A_1038, %select_n3A_1034 : vector<16xf32>
    %lt3A_1044 = arith.cmpi slt, %add3A_1041, %select_n3A_1035 : vector<16xi32>
    %and3A_1045 = arith.andi %eq3A_1043, %lt3A_1044 : vector<16xi1>
    %or3A_1046 = arith.ori %gt3A_1042, %and3A_1045 : vector<16xi1>
    %select_n3A_1047 = arith.select %or3A_1046, %get3A_1038, %select_n3A_1034 : vector<16xi1>, vector<16xf32>
    %select_n3A_1048 = arith.select %or3A_1046, %add3A_1041, %select_n3A_1035 : vector<16xi1>, vector<16xi32>
    %xor3A_1049 = arith.constant 8 : i32
    %xor3A_1050 = vector.broadcast %xor3A_1049 : i32 to vector<16xi32>
    %xor3A_1051 = arith.xori %iota3A, %xor3A_1050 : vector<16xi32>
    %broadcast_in_dim3A_1052 = vector.shape_cast %xor3A_1051 : vector<16xi32> to vector<16x1xi32>
    %gather3A_1053 = vector.shape_cast %broadcast_in_dim3A_1052 : vector<16x1xi32> to vector<16xi32>
    %gather3A_1054 = tpu.dynamic_gather %select_n3A_1047[%gather3A_1053] in [0] : vector<16xf32>, vector<16xi32> -> vector<16xf32>
    %max3A_1055 = arith.maximumf %select_n3A_1047, %gather3A_1054 : vector<16xf32>
    %xor3A_1056 = arith.constant 4 : i32
    %xor3A_1057 = vector.broadcast %xor3A_1056 : i32 to vector<16xi32>
    %xor3A_1058 = arith.xori %iota3A, %xor3A_1057 : vector<16xi32>
    %broadcast_in_dim3A_1059 = vector.shape_cast %xor3A_1058 : vector<16xi32> to vector<16x1xi32>
    %gather3A_1060 = vector.shape_cast %broadcast_in_dim3A_1059 : vector<16x1xi32> to vector<16xi32>
    %gather3A_1061 = tpu.dynamic_gather %max3A_1055[%gather3A_1060] in [0] : vector<16xf32>, vector<16xi32> -> vector<16xf32>
    %max3A_1062 = arith.maximumf %max3A_1055, %gather3A_1061 : vector<16xf32>
    %xor3A_1063 = arith.constant 2 : i32
    %xor3A_1064 = vector.broadcast %xor3A_1063 : i32 to vector<16xi32>
    %xor3A_1065 = arith.xori %iota3A, %xor3A_1064 : vector<16xi32>
    %broadcast_in_dim3A_1066 = vector.shape_cast %xor3A_1065 : vector<16xi32> to vector<16x1xi32>
    %gather3A_1067 = vector.shape_cast %broadcast_in_dim3A_1066 : vector<16x1xi32> to vector<16xi32>
    %gather3A_1068 = tpu.dynamic_gather %max3A_1062[%gather3A_1067] in [0] : vector<16xf32>, vector<16xi32> -> vector<16xf32>
    %max3A_1069 = arith.maximumf %max3A_1062, %gather3A_1068 : vector<16xf32>
    %xor3A_1070 = arith.constant 1 : i32
    %xor3A_1071 = vector.broadcast %xor3A_1070 : i32 to vector<16xi32>
    %xor3A_1072 = arith.xori %iota3A, %xor3A_1071 : vector<16xi32>
    %broadcast_in_dim3A_1073 = vector.shape_cast %xor3A_1072 : vector<16xi32> to vector<16x1xi32>
    %gather3A_1074 = vector.shape_cast %broadcast_in_dim3A_1073 : vector<16x1xi32> to vector<16xi32>
    %gather3A_1075 = tpu.dynamic_gather %max3A_1069[%gather3A_1074] in [0] : vector<16xf32>, vector<16xi32> -> vector<16xf32>
    %max3A_1076 = arith.maximumf %max3A_1069, %gather3A_1075 : vector<16xf32>
    %eq3A_1077 = arith.cmpf oeq, %select_n3A_1047, %max3A_1076 : vector<16xf32>
    %jit3A_1078 = arith.constant 1000 : i32
    %broadcast_in_dim3A_1079 = vector.broadcast %jit3A_1078 : i32 to vector<16xi32>
    %select_n3A_1080 = arith.select %eq3A_1077, %select_n3A_1048, %broadcast_in_dim3A_1079 : vector<16xi1>, vector<16xi32>
    %xor3A_1081 = arith.constant 8 : i32
    %xor3A_1082 = vector.broadcast %xor3A_1081 : i32 to vector<16xi32>
    %xor3A_1083 = arith.xori %iota3A, %xor3A_1082 : vector<16xi32>
    %broadcast_in_dim3A_1084 = vector.shape_cast %xor3A_1083 : vector<16xi32> to vector<16x1xi32>
    %gather3A_1085 = vector.shape_cast %broadcast_in_dim3A_1084 : vector<16x1xi32> to vector<16xi32>
    %gather3A_1086 = tpu.dynamic_gather %select_n3A_1080[%gather3A_1085] in [0] : vector<16xi32>, vector<16xi32> -> vector<16xi32>
    %min3A_1087 = arith.minsi %select_n3A_1080, %gather3A_1086 : vector<16xi32>
    %xor3A_1088 = arith.constant 4 : i32
    %xor3A_1089 = vector.broadcast %xor3A_1088 : i32 to vector<16xi32>
    %xor3A_1090 = arith.xori %iota3A, %xor3A_1089 : vector<16xi32>
    %broadcast_in_dim3A_1091 = vector.shape_cast %xor3A_1090 : vector<16xi32> to vector<16x1xi32>
    %gather3A_1092 = vector.shape_cast %broadcast_in_dim3A_1091 : vector<16x1xi32> to vector<16xi32>
    %gather3A_1093 = tpu.dynamic_gather %min3A_1087[%gather3A_1092] in [0] : vector<16xi32>, vector<16xi32> -> vector<16xi32>
    %min3A_1094 = arith.minsi %min3A_1087, %gather3A_1093 : vector<16xi32>
    %xor3A_1095 = arith.constant 2 : i32
    %xor3A_1096 = vector.broadcast %xor3A_1095 : i32 to vector<16xi32>
    %xor3A_1097 = arith.xori %iota3A, %xor3A_1096 : vector<16xi32>
    %broadcast_in_dim3A_1098 = vector.shape_cast %xor3A_1097 : vector<16xi32> to vector<16x1xi32>
    %gather3A_1099 = vector.shape_cast %broadcast_in_dim3A_1098 : vector<16x1xi32> to vector<16xi32>
    %gather3A_1100 = tpu.dynamic_gather %min3A_1094[%gather3A_1099] in [0] : vector<16xi32>, vector<16xi32> -> vector<16xi32>
    %min3A_1101 = arith.minsi %min3A_1094, %gather3A_1100 : vector<16xi32>
    %xor3A_1102 = arith.constant 1 : i32
    %xor3A_1103 = vector.broadcast %xor3A_1102 : i32 to vector<16xi32>
    %xor3A_1104 = arith.xori %iota3A, %xor3A_1103 : vector<16xi32>
    %broadcast_in_dim3A_1105 = vector.shape_cast %xor3A_1104 : vector<16xi32> to vector<16x1xi32>
    %gather3A_1106 = vector.shape_cast %broadcast_in_dim3A_1105 : vector<16x1xi32> to vector<16xi32>
    %gather3A_1107 = tpu.dynamic_gather %min3A_1101[%gather3A_1106] in [0] : vector<16xi32>, vector<16xi32> -> vector<16xi32>
    %min3A_1108 = arith.minsi %min3A_1101, %gather3A_1107 : vector<16xi32>
    %eq3A_1109 = arith.constant 7 : i32
    %eq3A_1110 = vector.broadcast %eq3A_1109 : i32 to vector<16xi32>
    %eq3A_1111 = arith.cmpi eq, %iota3A, %eq3A_1110 : vector<16xi32>
    %select_n3A_1112 = arith.select %eq3A_1111, %min3A_1108, %select_n3A_972 : vector<16xi1>, vector<16xi32>
    %swap3A = arith.constant 0 : index
    %swap3A_1113 = tpu.vector_load %arg6[%swap3A] {strides = array<i32>} : memref<16xi32, #tpu.memory_space<vmem>>, vector<16xi32>,
    %swap3A_1114 = vector.shape_cast %swap3A_1113 : vector<16xi32> to vector<16xi32>
    %swap3A_1115 = vector.shape_cast %select_n3A_1112 : vector<16xi32> to vector<16xi32>
    tpu.vector_store %arg6[%swap3A], %swap3A_1115 {strides = array<i32>} : memref<16xi32, #tpu.memory_space<vmem>>, vector<16xi32>,
    %dma_start3A = arith.constant 0 : i32
    %dma_start3A_1116 = tpu.memref_slice %arg6[%dma_start3A] : memref<16xi32, #tpu.memory_space<vmem>> -> memref<8xi32, #tpu.memory_space<vmem>>
    %dma_start3A_1117 = arith.constant 0 : i32
    %dma_start3A_1118 = arith.constant 0 : i32
    %dma_start3A_1119 = tpu.memref_slice %arg3[%dma_start3A_1117, %dma_start3A_1118] : memref<1000x512xf32, #tpu.memory_space<hbm>> -> memref<1000x512xf32, #tpu.memory_space<hbm>>
    tpu.enqueue_indirect_dma source(%dma_start3A_1119 : memref<1000x512xf32, #tpu.memory_space<hbm>>) target(%arg7 : memref<8x512xf32, #tpu.memory_space<vmem>>) offsets(%dma_start3A_1116 : memref<8xi32, #tpu.memory_space<vmem>>) semaphore(%arg8 : memref<!tpu.dma_semaphore, #tpu.memory_space<semaphore_mem>>)
    %dma_wait3A = arith.constant 0 : i32
    %dma_wait3A_1120 = tpu.memref_slice %arg6[%dma_wait3A] : memref<16xi32, #tpu.memory_space<vmem>> -> memref<8xi32, #tpu.memory_space<vmem>>
    %dma_wait3A_1121 = arith.constant 0 : i32
    %dma_wait3A_1122 = arith.constant 0 : i32
    %dma_wait3A_1123 = tpu.memref_slice %arg3[%dma_wait3A_1121, %dma_wait3A_1122] : memref<1000x512xf32, #tpu.memory_space<hbm>> -> memref<1000x512xf32, #tpu.memory_space<hbm>>
    tpu.wait_indirect_dma semaphore(%arg8 : memref<!tpu.dma_semaphore, #tpu.memory_space<semaphore_mem>>) src(%dma_wait3A_1123 : memref<1000x512xf32, #tpu.memory_space<hbm>>) dst(%arg7 : memref<8x512xf32, #tpu.memory_space<vmem>>)
    "tpu.region"() ({
      %run_scoped3A = tpu.sem_alloc : memref<!tpu.dma_semaphore, #tpu.memory_space<semaphore_mem>>
      %dma_start3A_1124 = arith.constant 0 : i32
      %dma_start3A_1125 = tpu.memref_slice %arg4[%mul3A_2, %dma_start3A_1124] : memref<256x512xf32, #tpu.memory_space<hbm>> -> memref<8x512xf32, #tpu.memory_space<hbm>>
      %dma_start3A_1126 = arith.constant 0 : i32
      %dma_start3A_1127 = tpu.memref_slice %arg4[%mul3A_2, %dma_start3A_1126] : memref<256x512xf32, #tpu.memory_space<hbm>> -> memref<8x512xf32, #tpu.memory_space<hbm>>
      tpu.enqueue_dma source(%arg7 : memref<8x512xf32, #tpu.memory_space<vmem>>) target(%dma_start3A_1127 : memref<8x512xf32, #tpu.memory_space<hbm>>) target_semaphore(%run_scoped3A : memref<!tpu.dma_semaphore, #tpu.memory_space<semaphore_mem>>)
      %dma_wait3A_1128 = arith.constant 0 : i32
      %dma_wait3A_1129 = tpu.memref_slice %arg4[%mul3A_2, %dma_wait3A_1128] : memref<256x512xf32, #tpu.memory_space<hbm>> -> memref<8x512xf32, #tpu.memory_space<hbm>>
      %dma_wait3A_1130 = arith.constant 0 : i32
      %dma_wait3A_1131 = tpu.memref_slice %arg4[%mul3A_2, %dma_wait3A_1130] : memref<256x512xf32, #tpu.memory_space<hbm>> -> memref<8x512xf32, #tpu.memory_space<hbm>>
      tpu.wait_dma2 semaphore(%run_scoped3A : memref<!tpu.dma_semaphore, #tpu.memory_space<semaphore_mem>>) src(%arg7 : memref<8x512xf32, #tpu.memory_space<vmem>>) dst(%dma_wait3A_1131 : memref<8x512xf32, #tpu.memory_space<hbm>>)
      tpu.yield
    }) : () -> ()
    return
  }
}

module attributes {stable_mosaic.version = 14 : i64} {
  func.func @_tc_margin_kernel(%arg0: memref<256x1000xf32, #tpu.memory_space<vmem>>, %arg1: memref<1000x512xf32, #tpu.memory_space<vmem>>, %arg2: memref<256x512xf32, #tpu.memory_space<vmem>>, %arg3: memref<1xf32, #tpu.memory_space<smem>>, %arg4: memref<1xf32, #tpu.memory_space<smem>>, %arg5: memref<1x1xf32, #tpu.memory_space<smem>>) attributes {dimension_semantics = [], scalar_prefetch = 0 : i64, scratch_operands = 0 : i64, tpu.core_type = #tpu.core_type<tc>} {
    %get3A = arith.constant 0 : index
    %get3A_0 = arith.constant 0 : index
    %get3A_1 = vector.load %arg0[%get3A, %get3A_0] : memref<256x1000xf32, #tpu.memory_space<vmem>>, vector<256x1000xf32>
    %get3A_2 = arith.constant 0 : index
    %get3A_3 = arith.constant 0 : index
    %get3A_4 = vector.load %arg1[%get3A_2, %get3A_3] : memref<1000x512xf32, #tpu.memory_space<vmem>>, vector<1000x512xf32>
    %get3A_5 = arith.constant 0 : index
    %get3A_6 = arith.constant 0 : index
    %get3A_7 = vector.load %arg2[%get3A_5, %get3A_6] : memref<256x512xf32, #tpu.memory_space<vmem>>, vector<256x512xf32>
    %get3A_8 = arith.constant 0 : index
    %get3A_9 = memref.load %arg3[%get3A_8] : memref<1xf32, #tpu.memory_space<smem>>
    %get3A_10 = arith.constant 0 : index
    %get3A_11 = memref.load %arg4[%get3A_10] : memref<1xf32, #tpu.memory_space<smem>>
    %div3A = arith.divf %get3A_9, %get3A_11 : f32
    %mul3A = arith.constant 4.46428537 : f32
    %mul3A_12 = arith.mulf %div3A, %mul3A : f32
    %mul3A_13 = arith.mulf %get3A_4, %get3A_4 : vector<1000x512xf32>
    %reduce_sum3A = arith.constant dense<0.000000e+00> : vector<1000xf32>
    %reduce_sum3A_14 = vector.multi_reduction <add>, %mul3A_13, %reduce_sum3A [1] : vector<1000x512xf32> to vector<1000xf32>
    %broadcast_in_dim3A = vector.shape_cast %reduce_sum3A_14 : vector<1000xf32> to vector<1000x1xf32>
    %rsqrt3A = math.rsqrt %broadcast_in_dim3A : vector<1000x1xf32>
    %mul3A_15 = vector.broadcast %rsqrt3A : vector<1000x1xf32> to vector<1000x512xf32>
    %mul3A_16 = arith.mulf %get3A_4, %mul3A_15 : vector<1000x512xf32>
    %mul3A_17 = arith.mulf %get3A_7, %get3A_7 : vector<256x512xf32>
    %reduce_sum3A_18 = arith.constant dense<0.000000e+00> : vector<256xf32>
    %reduce_sum3A_19 = vector.multi_reduction <add>, %mul3A_17, %reduce_sum3A_18 [1] : vector<256x512xf32> to vector<256xf32>
    %broadcast_in_dim3A_20 = vector.shape_cast %reduce_sum3A_19 : vector<256xf32> to vector<256x1xf32>
    %rsqrt3A_21 = math.rsqrt %broadcast_in_dim3A_20 : vector<256x1xf32>
    %mul3A_22 = vector.broadcast %rsqrt3A_21 : vector<256x1xf32> to vector<256x512xf32>
    %mul3A_23 = arith.mulf %get3A_7, %mul3A_22 : vector<256x512xf32>
    %dot_general3A = arith.constant dense<0.000000e+00> : vector<256x1000xf32>
    %dot_general3A_24 = tpu.matmul %mul3A_23, %mul3A_16, %dot_general3A {dimension_numbers = #tpu.dot_dimension_numbers<[1], [1], [0], [0], [0, 0, 1, 0], [], []>, transpose_lhs_hint = false} : vector<256x512xf32>, vector<1000x512xf32>, vector<256x1000xf32> -> vector<256x1000xf32>
    %mul3A_25 = arith.constant 2.000000e+00 : f32
    %mul3A_26 = vector.broadcast %mul3A_25 : f32 to vector<256x1000xf32>
    %mul3A_27 = arith.mulf %mul3A_26, %dot_general3A_24 : vector<256x1000xf32>
    %sub3A = arith.constant 2.000000e+00 : f32
    %sub3A_28 = vector.broadcast %sub3A : f32 to vector<256x1000xf32>
    %sub3A_29 = arith.subf %sub3A_28, %mul3A_27 : vector<256x1000xf32>
    %max3A = arith.constant 0.000000e+00 : f32
    %max3A_30 = vector.broadcast %max3A : f32 to vector<256x1000xf32>
    %max3A_31 = arith.maximumf %sub3A_29, %max3A_30 : vector<256x1000xf32>
    %reduce_max3A = arith.constant dense<0xFF800000> : vector<256xf32>
    %reduce_max3A_32 = vector.multi_reduction <maximumf>, %get3A_1, %reduce_max3A [1] : vector<256x1000xf32> to vector<256xf32>
    %broadcast_in_dim3A_33 = vector.shape_cast %reduce_max3A_32 : vector<256xf32> to vector<256x1xf32>
    %iota3A = tpu.iota {dimensions = array<i32: 1>} : vector<256x1000xi32>
    %eq3A = vector.broadcast %broadcast_in_dim3A_33 : vector<256x1xf32> to vector<256x1000xf32>
    %eq3A_34 = arith.cmpf oeq, %get3A_1, %eq3A : vector<256x1000xf32>
    %jit3A = arith.constant 1000 : i32
    %broadcast_in_dim3A_35 = vector.broadcast %jit3A : i32 to vector<256x1000xi32>
    %select_n3A = arith.select %eq3A_34, %iota3A, %broadcast_in_dim3A_35 : vector<256x1000xi1>, vector<256x1000xi32>
    %reduce_min3A = arith.constant dense<2147483647> : vector<256xi32>
    %reduce_min3A_36 = vector.multi_reduction <minsi>, %select_n3A, %reduce_min3A [1] : vector<256x1000xi32> to vector<256xi32>
    %broadcast_in_dim3A_37 = vector.shape_cast %reduce_min3A_36 : vector<256xi32> to vector<256x1xi32>
    %eq3A_38 = vector.broadcast %broadcast_in_dim3A_37 : vector<256x1xi32> to vector<256x1000xi32>
    %eq3A_39 = arith.cmpi eq, %iota3A, %eq3A_38 : vector<256x1000xi32>
    %sub3A_40 = vector.broadcast %broadcast_in_dim3A_33 : vector<256x1xf32> to vector<256x1000xf32>
    %sub3A_41 = arith.subf %sub3A_40, %get3A_1 : vector<256x1000xf32>
    %jit3A_42 = arith.constant 0x7F800000 : f32
    %broadcast_in_dim3A_43 = vector.broadcast %jit3A_42 : f32 to vector<256x1000xf32>
    %select_n3A_44 = arith.select %eq3A_39, %broadcast_in_dim3A_43, %sub3A_41 : vector<256x1000xi1>, vector<256x1000xf32>
    %rsqrt3A_45 = math.rsqrt %max3A_31 : vector<256x1000xf32>
    %mul3A_46 = arith.mulf %select_n3A_44, %rsqrt3A_45 : vector<256x1000xf32>
    %reduce_min3A_47 = arith.constant dense<0x7F800000> : vector<256xf32>
    %reduce_min3A_48 = vector.multi_reduction <minimumf>, %mul3A_46, %reduce_min3A_47 [1] : vector<256x1000xf32> to vector<256xf32>
    %reduce_sum3A_49 = vector.shape_cast %reduce_min3A_48 : vector<256xf32> to vector<1x256xf32>
    %reduce_sum3A_50 = arith.constant dense<0.000000e+00> : vector<1xf32>
    %reduce_sum3A_51 = vector.multi_reduction <add>, %reduce_sum3A_49, %reduce_sum3A_50 [1] : vector<1x256xf32> to vector<1xf32>
    %reduce_sum3A_52 = vector.shape_cast %reduce_sum3A_51 : vector<1xf32> to vector<1x1xf32>
    %reduce_sum3A_53 = vector.extract %reduce_sum3A_52[0, 0] : f32 from vector<1x1xf32>
    %mul3A_54 = arith.constant 2.560000e+02 : f32
    %mul3A_55 = arith.mulf %mul3A_54, %mul3A_12 : f32
    %div3A_56 = arith.divf %reduce_sum3A_53, %mul3A_55 : f32
    %swap3A = arith.constant 0 : index
    %swap3A_57 = arith.constant 0 : index
    %swap3A_58 = memref.load %arg5[%swap3A, %swap3A_57] : memref<1x1xf32, #tpu.memory_space<smem>>
    memref.store %div3A_56, %arg5[%swap3A, %swap3A_57] : memref<1x1xf32, #tpu.memory_space<smem>>
    return
  }
}

</mosaic_0001>

<sc_bundles>
// kernel: kernel.4.cloned.1.call-start
scs
__scs_entry_jumppad:
0x0: {  	(pc) =	sbr.rel $0x88, $3  }
0x1: {  	(tag) =	ssettag $0x0;
	lr =	simm.s32 $0x1  }
0x2: {  	[smem:$0x3F9D] =	sst lr;
	_ =	strace $0xD0000000  }
0x3: {  	_ = 	snop  }
0x4: {  	_ = 	snop  }
0x5: {  	_ = 	snop  }
0x6: {  	_ = 	snop  }
0x7: {  	_ = 	snop  }
__scs_overlays_trampoline_lowered:
0x8: {  	[smem:$0x3FAC] =	sst s0  }
0x9: {  	[smem:$0x3FAD] =	sst s1  }
0xa: {  	[smem:$0x3FAE] =	sst s2  }
0xb: {  	[smem:$0x3FAF] =	sst s3  }
0xc: {  	[smem:$0x3FB0] =	sst s4  }
0xd: {  	[smem:$0x3FB1] =	sst s5  }
0xe: {  	[smem:$0x3FB2] =	sst s6  }
0xf: {  	[smem:$0x3FB3] =	sst s7  }
0x10: {  	[smem:$0x3FB4] =	sst s8  }
0x11: {  	[smem:$0x3FB5] =	sst s9;
	s0 =	simm.s32 @!p0 $0x0  }
0x12: {  	s1 =	sld [smem:$0x3F9B];
	s0 =	simm.s32 @p0 $0x1  }
0x13: {  	[smem:$0x3FB6] =	sst s0;
	s0 =	simm.s32 @!p1 $0x0  }
0x14: {  	s2 =	sld [smem:$0x3F9A];
	s0 =	simm.s32 @p1 $0x1  }
0x15: {  	[smem:$0x3FB7] =	sst s0;
	s0 =	simm.s32 @!p2 $0x0  }
0x16: {  	s3 =	sld [smem:$0x3FDB];
	s0 =	simm.s32 @p2 $0x1  }
0x17: {  	s4 =	simm.s32 $0x1BF5;
	[smem:$0x3FB9] =	sst s0  }
0x18: {  	s0 =	sld [smem:$0x3F9C];
	_ =	swait.ge [sflag:s4], $0x0  }
0x19: {  	s7 =	sld [smem:$0x3F9D]  }
0x1a: {  	s8 =	sadd.s32 $0xFFFFE003, lr  }
0x1b: {  	s9 =	sadd.s32 $0xFFFFFEF7, lr;
	s5 =	simm.s32 $0xFFFFFFFF;
	p2 =	slt.u32 s8, $0xFFFFF086  }
0x1c: {  	p1 =	slt.u32 s9, $0xF7A;
	s5 =	simm.s32 @!p2 $0x0  }
0x1d: {  	s5 =	simm.s32 @p1 $0x1;
	p0 =	seq.s32 s7, s2  }
0x1e: {  	s7 =	smul.u32 @!p0 $0xF7A, s2;
	p2 =	seq.s32 @!p0 s5, $0x0  }
0x1f: {  	s9 =	smul.u32 $0xF7A, s1;
	s8 =	simm.s32 @!p0 $0x1BF5;
	p2 =	por !p2, p0  }
0x20: {  	[sflag:s8] =	ssyncset.s32 @!p0 $0xFFFFF086;
	s6 =	sadd.s32 @!p0 s3, s7;
	s7 =	simm.s32 @!p0 $0x108  }
0x21: {  	s3 =	sadd.s32 s3, s9;
	s6 =	sadd.s32 @!p0 $0x88, s6;
	s7 =	simm.s32 @p2 $0x1082  }
0x22: {  	[simem:s7], [sflag:s8] =	dma.local @!p0 [hbm:s6], $0xF7A  }
0x23: {  	s9 =	sor.u32 $0xD0000000, s2;
	s6 =	simm.s32 $0x108;
	_ =	swait.ge @!p0 [sflag:s8], $0x0  }
0x24: {  	s3 =	sadd.s32 $0x88, s3;
	s6 =	simm.s32 @!p1 $0x1082;
	[sflag:s4] =	ssyncset.s32 $0xFFFFF086  }
0x25: {  	[simem:s6], [sflag:s4] =	dma.local [hbm:s3], $0xF7A  }
0x26: {  	[smem:$0x3F9D] =	sst s1;
	(tag) =	ssettag s2;
	_ =	strace s9  }
0x27: {  	s1 =	sld [smem:$0x3FAD]  }
0x28: {  	s2 =	sld [smem:$0x3FAE]  }
0x29: {  	s4 =	sld [smem:$0x3FB0]  }
0x2a: {  	p0 =	seq.s32 s5, $0x0;
	s5 =	sld [smem:$0x3FB1]  }
0x2b: {  	s6 =	sld [smem:$0x3FB2]  }
0x2c: {  	s7 =	sld [smem:$0x3FB3]  }
0x2d: {  	s3 =	simm.s32 $0x108;
	s8 =	sld [smem:$0x3FB4]  }
0x2e: {  	s3 =	simm.s32 @!p0 $0x1082;
	s9 =	sld [smem:$0x3FB5]  }
0x2f: {  	lr =	sadd.s32 s0, s3;
	s0 =	sld [smem:$0x3FAC]  }
0x30: {  	s3 =	sld [smem:$0x3FAF]  }
0x31: {  	[smem:$0x3FB8] =	sst s10  }
0x32: {  	s10 =	sld [smem:$0x3FB6];
	_ =	sdelay $0x3  }
0x33: {  	p0 =	seq.s32 s10, $0x1;
	s10 =	sld [smem:$0x3FB8];
	_ =	sdelay $0x3  }
0x34: {  	[smem:$0x3FB8] =	sst s10  }
0x35: {  	s10 =	sld [smem:$0x3FB7];
	_ =	sdelay $0x3  }
0x36: {  	p1 =	seq.s32 s10, $0x1;
	s10 =	sld [smem:$0x3FB8];
	_ =	sdelay $0x3  }
0x37: {  	[smem:$0x3FB8] =	sst s10  }
0x38: {  	s10 =	sld [smem:$0x3FB9]  }
0x39: {  	_ = 	snop;
	(pc) =	sbr.ind lr, $3  }
0x3a: {  	_ = 	snop  }
0x3b: {  	_ = 	snop  }
0x3c: {  	p2 =	seq.s32 s10, $0x1;
	s10 =	sld [smem:$0x3FB8]  }
0x3d: {  	_ =	shalt  }
0x3e: {  	_ =	shalt  }
0x3f: {  	_ =	shalt  }
0x40: {  	_ =	shalt  }
0x41: {  	_ =	shalt  }
0x42: {  	_ =	shalt  }
0x43: {  	_ =	shalt  }
0x44: {  	_ =	shalt  }
0x45: {  	_ =	shalt  }
0x46: {  	_ =	shalt  }
0x47: {  	_ =	shalt  }
0x48: {  	_ =	shalt  }
0x49: {  	_ =	shalt  }
0x4a: {  	_ =	shalt  }
0x4b: {  	_ =	shalt  }
0x4c: {  	_ =	shalt  }
0x4d: {  	_ =	shalt  }
0x4e: {  	_ =	shalt  }
0x4f: {  	_ =	shalt  }
0x50: {  	_ =	shalt  }
0x51: {  	_ =	shalt  }
0x52: {  	_ =	shalt  }
0x53: {  	_ =	shalt  }
0x54: {  	_ =	shalt  }
0x55: {  	_ =	shalt  }
0x56: {  	_ =	shalt  }
0x57: {  	_ =	shalt  }
0x58: {  	_ =	shalt  }
0x59: {  	_ =	shalt  }
0x5a: {  	_ =	shalt  }
0x5b: {  	_ =	shalt  }
0x5c: {  	_ =	shalt  }
0x5d: {  	_ =	shalt  }
0x5e: {  	_ =	shalt  }
0x5f: {  	_ =	shalt  }
0x60: {  	_ =	shalt  }
0x61: {  	_ =	shalt  }
0x62: {  	_ =	shalt  }
0x63: {  	_ =	shalt  }
0x64: {  	_ =	shalt  }
0x65: {  	_ =	shalt  }
0x66: {  	_ =	shalt  }
0x67: {  	_ =	shalt  }
0x68: {  	_ =	shalt  }
0x69: {  	_ =	shalt  }
0x6a: {  	_ =	shalt  }
0x6b: {  	_ =	shalt  }
0x6c: {  	_ =	shalt  }
0x6d: {  	_ =	shalt  }
0x6e: {  	_ =	shalt  }
0x6f: {  	_ =	shalt  }
0x70: {  	_ =	shalt  }
0x71: {  	_ =	shalt  }
0x72: {  	_ =	shalt  }
0x73: {  	_ =	shalt  }
0x74: {  	_ =	shalt  }
0x75: {  	_ =	shalt  }
0x76: {  	_ =	shalt  }
0x77: {  	_ =	shalt  }
0x78: {  	_ =	shalt  }
0x79: {  	_ =	shalt  }
0x7a: {  	_ =	shalt  }
0x7b: {  	_ =	shalt  }
0x7c: {  	_ =	shalt  }
0x7d: {  	_ =	shalt  }
0x7e: {  	_ =	shalt  }
0x7f: {  	_ =	shalt  }
0x80: {  	_ =	shalt  }
0x81: {  	_ =	shalt  }
0x82: {  	_ =	shalt  }
0x83: {  	_ =	shalt  }
0x84: {  	_ =	shalt  }
0x85: {  	_ =	shalt  }
0x86: {  	_ =	shalt  }
0x87: {  	_ =	shalt  }
.Lfunc_end0:
.L_simem_size_0:
called_computation_lowered:
.L_overlay_start_0:
0x88: {  	s2 =	sld [smem:$0x3FD9]  }
0x89: {  	s3 =	sld [smem:$0x3FFE];
	_ =	sdelay $0x1  }
0x8a: {  	s1 =	srdreg.scid  }
0x8b: {  	s0 =	sand.u32 $0x1, s1  }
0x8c: {  	s17 =	sshll.u32 s0, $0xA;
	s2 =	sadd.s32 s3, s2  }
0x8d: {  	s2 =	sadd.s32 s2, s17  }
0x8e: {  	[smem:$0x3FC4] =	sst s2  }
0x8f: {  	_ = 	snop  }
0x90: {  	s2 =	sld [smem:$0x3FC8];
	(tm) =	ssettm $0x1  }
0x91: {  	s18 =	sld [smem:$0x3FFB];
	_ =	sdelay $0x3  }
0x92: {  	_ =	strace s18  }
0x93: {  	s3 =	sld [smem:$0x3FFC];
	_ =	sdelay $0x3  }
0x94: {  	_ =	strace s3  }
0x95: {  	s3 =	sld [smem:$0x3FFD];
	_ =	sdelay $0x3  }
0x96: {  	_ =	strace s3  }
0x97: {  	_ =	strace $0x8FFFFFFF  }
0x98: {  	s19 =	sld [smem:$0x3FDB];
	_ =	sdelay $0x1  }
0x99: {  	s4 =	simm.s32 $_scs_section_size  }
0x9a: {  	s5 =	simm.s32 $_size__tile_overlayer_lowered;
	s6 =	simm.s32 $_tile_overlayer_lowered  }
0x9b: {  	s22 =	simm.s32 $0x1BFF;
	s21 =	sshll.u32 s6, $0x1;
	s3 =	sadd.s32 s4, s19  }
0x9c: {  	s7 =	simm.s32 $0x0;
	s20 =	sshll.u32 s5, $0x1;
	s5 =	sadd.s32 s21, s3  }
0x9d: {  	[timem:s7], [sflag:s22] =	dma.local [hbm:s5], s20  }
0x9e: {  	_ =	swait.ge [sflag:s22], s20  }
0x9f: {  	s4 =	ssub.s32 $0x0, s20;
	[sflag:s22] =	ssyncset.done $0x0  }
0xa0: {  	[sflag:s22] =	ssyncadd.s32 s4;
	_ =	sdelay $0x1  }
0xa1: {  	s23 =	simm.s32 $0x1B8B  }
0xa2: {  	_ =	swait.ge [sflag:s23], $0x1  }
0xa3: {  	[sflag:s23] =	ssyncset.done $0x0  }
0xa4: {  	s25 =	simm.s32 $0x1B8E;
	s24 =	sld [smem:$0x3FFE];
	[sflag:s23] =	ssyncadd.s32 $0xFFFFFFFF  }
0xa5: {  	s26 =	simm.s32 $execute0_lowered;
	[smem:$0x3FD2] =	sst s25  }
0xa6: {  	s5 =	sshll.u32 s26, $0x1;
	_ =	strace $0x80000046;
	[dreg:$0x1] =	wrdreg $0xFFFFFFFF  }
0xa7: {  	s28 =	simm.s32 $_size_execute0_lowered;
	s3 =	sadd.s32 s3, s5;
	[dreg:$0x0] =	wrdreg $0x0  }
0xa8: {  	s5 =	sshll.u32 s28, $0x1;
	[dreg:$0x2] =	wrdreg s3  }
0xa9: {  	[dreg:$0x3] =	wrdreg s5  }
0xaa: {  	[dreg:$0x4] =	wrdreg $0xC0  }
0xab: {  	_ =	task [dreg:s7], $0x5FFFF  }
0xac: {  	[dreg:$0x1] =	wrdreg $0xFFFFFFFF  }
0xad: {  	[dreg:$0x0] =	wrdreg $0x60  }
0xae: {  	[dreg:$0x2] =	wrdreg s24  }
0xaf: {  	[dreg:$0x3] =	wrdreg s2  }
0xb0: {  	[dreg:$0x4] =	wrdreg $0x9  }
0xb1: {  	_ =	task.clear_ibuf [dreg:s7], $0x5FFFF;
	_ =	strace $0x90000046  }
0xb2: {  	s29 =	simm.s32 $0x9;
	_ =	strace $0x80000048  }
0xb3: {  	_ =	swait.ge [sflag:s29], $0x1  }
0xb4: {  	[sflag:s29] =	ssyncadd.s32 $0xFFFFFFFF  }
0xb5: {  	_ =	strace $0x90000048  }
0xb6: {  	_ =	sfence  }
0xb7: {  	s30 =	sld [smem:$0x0];
	_ =	sdelay $0x2  }
0xb8: {  	s31 =	sshll.u32 s1, $0xD;
	s1 =	sshrl.u32 s1, $0x2  }
0xb9: {  	s3 =	sand.u32 $0x4000, s31;
	s1 =	sadd.s32 s1, s30  }
0xba: {  	s0 =	sor.u32 s3, s0;
	s1 =	sshll.u32 s1, $0x11  }
0xbb: {  	s0 =	sor.u32 s1, s0  }
0xbc: {  	s0 =	sadd.s32 $0x8F2B, s0  }
0xbd: {  	[sflag:s0] =	ssyncadd.remote.s32 $0x1  }
0xbe: {  	_ =	sfence.sel $0xFFFF  }
0xbf: {  	[dreg:$0x0] =	wrdreg $0xFFFFFFFF;
	(pc) =	sbr.abs _section_cstart, $3  }
0xc0: {  	[dreg:$0x1] =	wrdreg $0xFFFFFFFF  }
0xc1: {  	_ =	task.clear_ibuf [dreg:s7], $0x2FFFF;
	_ =	strace $0x9FFFFFFF  }
0xc2: {  	(tm) =	ssettm $0x7FFFFFFF  }
0xc3: {  	_ =	shalt  }
tec
execute0_lowered:
.L_overlay_start_1:
0x0: {  	(tag) =	ssettag $0x1  }
0x1: {  	v0 =	vimm.s32 $0xBA98FEDC  }
0x2: {  	v1 =	vimm.s32 $0x76543210;
	v2 =	vimm.s32 $0xFEDCBA98;
	v5 =	vimm.s32 $0xDCFE98BA  }
0x3: {  	v6 =	vimm.s32 $0x54761032;
	v7 =	vimm.s32 $0xEFCDAB89;
	v8 =	vimm.s32 $0x67452301  }
0x4: {  	vm0 =	vcmask $0x320;
	vm1 =	vcmask $0x720;
	v3 =	vunpack.c.l.s4.s8 v0  }
0x5: {  	vm2 =	vcmask $0xB20;
	vm3 =	vcmask $0xF20;
	v4 =	vunpack.c.l.s4.s8 v1  }
0x6: {  	s4 =	rddreg [dreg:$0x0];
	v1 =	vunpack.c.l.s4.s8 v2;
	v2 =	vunpack.c.0.s8.s32 v3;
	v3 =	vimm.s32 $0x32107654  }
0x7: {  	s1 =	srdreg.scid;
	s0 =	stileid.u32;
	vm4 =	vcmask $0x1320;
	vm5 =	vcmask $0x1720;
	v3 =	vunpack.c.l.s4.s8 v3  }
0x8: {  	s2 =	rddreg [dreg:$0x1];
	s3 =	simm.s32 $0x0;
	s9 =	simm.s32 $0x2000;
	vm6 =	vcmask $0x1B20;
	v5 =	vunpack.c.l.s4.s8 v5;
	v6 =	vunpack.c.l.s4.s8 v6  }
0x9: {  	s10 =	simm.s32 $0x2800;
	s11 =	simm.s32 $0x1;
	s12 =	simm.s32 $0x0;
	v7 =	vunpack.c.l.s4.s8 v7;
	v8 =	vunpack.c.l.s4.s8 v8;
	v3 =	vunpack.c.0.s8.s32 v3  }
0xa: {  	s5 =	sand.u32 $0x1, s1;
	s6 =	sshll.u32 s0, $0x1;
	s1 =	rddreg [dreg:$0x2];
	v9 =	vunpack.c.0.s8.s32 v1;
	v5 =	vunpack.c.0.s8.s32 v5;
	v6 =	vunpack.c.0.s8.s32 v6  }
0xb: {  	[smem:$0x7FF] =	sst s3;
	s6 =	sor.u32 s5, s6;
	s5 =	ssub.s32 $0x2, s5;
	v10 =	vcombine.low v3, v2;
	v3 =	vunpack.c.0.s8.s32 v7;
	v7 =	vunpack.c.0.s8.s32 v8  }
0xc: {  	v0 =	vlaneseq.u32;
	s7 =	smul.u32 $0x3E8, s6;
	v4 =	vunpack.c.0.s8.s32 v4;
	s6 =	sshll.u32 s6, $0x9;
	s8 =	sshrl.u32 s5, $0x1;
	v6 =	vcombine.low v6, v5  }
0xd: {  	_ =	strace $0x80000047;
	v1 =	vor.u32 $0x3C0, v0;
	s6 =	sadd.s32 s6, s4;
	s8 =	ssub.s32 s5, s8;
	v5 =	vand.u32 $0xF, v9;
	v7 =	vcombine.low v7, v3  }
0xe: {  	s5 =	sadd.s32 $0x100, s2;
	s7 =	sadd.s32 s7, s4;
	s6 =	sadd.s32 $0x8600, s6;
	v4 =	vcombine.low v5, v4;
	v6 =	vand.u32 $0xF, v6;
	v2 =	vor.u32 $0x3D0, v0  }
0xf: {  	s4 =	sadd.s32 $0x800, s7;
	s7 =	smax.u32 s8, $0x1;
	s8 =	simm.s32 $0x2;
	v3 =	vadd.s32 $0x3D8, v0;
	v5 =	vand.u32 $0xF, v10;
	v7 =	vand.u32 $0xF, v7  }
.LBB2_1:
0x10: {  	[tilespmem:s3], [sflag:$0x2] =	stream.linear.gather [hbm4b:s4+s3], $0x1F40, $0x38;
	[tilespmem:$0x3000] =	vst v63  }
0x11: {  	_ =	swait.ge [sflag:s8], $0x1F40  }
0x12: {  	[sflag:s8] =	ssyncset.done $0x0  }
0x13: {  	s14 =	simm.s32 $0x20;
	[sflag:s8] =	ssyncadd.s32 $0xFFFFE0C0  }
0x14: {  	v19 =	vld [tilespmem:s14+$0xFFFFFFE0]  }
0x15: {  	v17 =	vld [tilespmem:s14+$0xFFFFFFF0]  }
0x16: {  	v9 =	vld [tilespmem:s14+$0x0]  }
0x17: {  	v16 =	vimm.f32 $-Inf;
	v11 =	vimm.s32 $0x0;
	v13 =	vld [tilespmem:s14+$0x10]  }
0x18: {  	v12 =	vimm.f32 $-Inf;
	v10 =	vimm.f32 $-Inf;
	v8 =	vimm.f32 $-Inf  }
0x19: {  	s13 =	simm.s32 $0x3;
	s15 =	simm.s32 $0x60;
	v18 =	vimm.s32 $0x0;
	v14 =	vimm.s32 $0x0;
	v15 =	vimm.s32 $0x0;
	s14 =	simm.s32 $0x7  }
.LBB2_2:
0x1a: {  	v20 =	vld [tilespmem:s15+$0xFFFFFFE0];
	s16 =	sadd.s32 $0xFFFFFFFD, s13;
	vm7 =	vgt.f32 v19, v16;
	v21 =	vmov v17;
	s17 =	smov.u32 s14;
	p0 =	sne.s32 s14, $0x3B  }
.Ltmp0:
0x1b: {  	v17 =	vld [tilespmem:s15+$0xFFFFFFF0];
	v16 =	vsel vm7, v19, v16;
	v11 =	vsel vm7, s16, v11;
	v19 =	vmov v9;
	(pc) =	sbr.rel @p0 .LBB2_2-.Ltmp0, $4  }
0x1c: {  	s16 =	sadd.s32 $0xFFFFFFFE, s13;
	vm7 =	vgt.f32 v21, v12;
	v9 =	vld [tilespmem:s15+$0x0];
	vm8 =	vgt.f32 v19, v10;
	vm9 =	vgt.f32 v13, v8  }
0x1d: {  	s14 =	sadd.s32 $0x4, s14;
	s18 =	sadd.s32 $0xFFFFFFFF, s13;
	v12 =	vsel vm7, v21, v12;
	v10 =	vsel vm8, v19, v10;
	v8 =	vsel vm9, v13, v8;
	v13 =	vld [tilespmem:s15+$0x10]  }
0x1e: {  	v18 =	vsel vm7, s16, v18;
	v14 =	vsel vm8, s18, v14;
	v15 =	vsel vm9, s13, v15;
	s13 =	smov.u32 s17  }
0x1f: {  	s15 =	sadd.s32 $0x40, s15;
	v19 =	vmov v20  }
0x20: {  	vm7 =	vgt.f32 v19, v16  }
0x21: {  	v20 =	vld [tilespmem:$0x3C0];
	s14 =	sadd.s32 $0xFFFFFFFD, s13;
	v16 =	vsel vm7, v19, v16  }
0x22: {  	v19 =	vld [tilespmem:$0x3D0];
	v11 =	vsel vm7, s14, v11;
	vm7 =	vgt.f32 v17, v12;
	vm8 =	vgt.f32 v9, v10  }
0x23: {  	s30 =	sadd.s32 $0xFFFFFFFE, s13;
	v12 =	vsel vm7, v17, v12;
	v9 =	vsel vm8, v9, v10;
	vm9 =	vgt.f32 v13, v8  }
0x24: {  	s15 =	sadd.s32 $0xFFFFFFFF, s13;
	v10 =	vsel vm7, s30, v18;
	v11 =	vshll.u32 v11, $0x4;
	v8 =	vsel vm9, v13, v8  }
0x25: {  	v13 =	vsel vm8, s15, v14;
	v14 =	vsel vm9, s13, v15;
	v10 =	vshll.u32 v10, $0x4  }
0x26: {  	v11 =	vor.u32 v0, v11;
	v10 =	vor.u32 v0, v10;
	vm7 =	vgt.f32 v20, v16  }
0x27: {  	v13 =	vshll.u32 v13, $0x4;
	v15 =	vsel vm7, v20, v16;
	vm8 =	vgt.f32 v19, v12  }
0x28: {  	v11 =	vsel vm7, v1, v11;
	v12 =	vsel vm8, v19, v12;
	v10 =	vsel vm8, v2, v10  }
0x29: {  	v14 =	vshll.u32 v14, $0x4;
	vm7 =	veq.f32 v12, v15;
	vm8 =	vlt.s32 v10, v11  }
0x2a: {  	vm12 =	vlt.s32 v14, v13;
	vm7 =	vmand vm7, vm8;
	vm8 =	veq.f32 v8, v9  }
0x2b: {  	vm13 =	vgt.f32 v8, v9;
	vm10 =	vgt.f32 v12, v15;
	vm8 =	vmand vm8, vm12  }
0x2c: {  	vm7 =	vmor vm10, vm7;
	vm8 =	vmor vm13, vm8  }
0x2d: {  	v12 =	vsel vm7, v12, v15;
	v13 =	vsel vm8, v14, v13  }
0x2e: {  	v10 =	vsel vm7, v10, v11;
	v11 =	vld [tilespmem:$0x3D8];
	v8 =	vsel vm8, v8, v9;
	v9 =	vor.u32 v0, v13  }
0x2f: {  	vm7 =	veq.f32 v8, v12;
	vm8 =	vlt.s32 v9, v10  }
0x30: {  	vm14 =	vgt.f32 v8, v12;
	vm7 =	vmand vm7, vm8  }
0x31: {  	vm7 =	vmor vm14, vm7  }
0x32: {  	v8 =	vsel vm7, v8, v12;
	v9 =	vsel vm7, v9, v10  }
0x33: {  	vm7 =	veq.f32 v11, v8;
	vm8 =	vgt.s32 v9, v3  }
0x34: {  	vm15 =	vgt.f32 v11, v8;
	vm7 =	vmand vm7, vm8  }
0x35: {  	vm7 =	vmor vm15, vm7  }
0x36: {  	v8 =	vsel vm7, v11, v8  }
0x37: {  	v10 =	vperm.xlane v8, v4;
	_ =	sdelay $0x1  }
0x38: {  	v10 =	vmax.f32 v8, v10  }
0x39: {  	v11 =	vperm.xlane v10, v5;
	_ =	sdelay $0x1  }
0x3a: {  	v10 =	vmax.f32 v10, v11  }
0x3b: {  	v11 =	vperm.xlane v10, v6;
	_ =	sdelay $0x1  }
0x3c: {  	v10 =	vmax.f32 v10, v11  }
0x3d: {  	v11 =	vperm.xlane v10, v7;
	_ =	sdelay $0x1  }
0x3e: {  	v10 =	vmax.f32 v10, v11  }
0x3f: {  	v9 =	vsel vm7, v3, v9;
	vm7 =	veq.f32 v8, v10  }
0x40: {  	v8 =	vnsel vm7, $0x3E8, v9  }
0x41: {  	v9 =	vperm.xlane v8, v4;
	_ =	sdelay $0x1  }
0x42: {  	vm7 =	vlt.s32 v8, v9  }
0x43: {  	v8 =	vsel vm7, v8, v9  }
0x44: {  	v9 =	vperm.xlane v8, v5;
	_ =	sdelay $0x1  }
0x45: {  	s31 =	simm.s32 $0x418;
	vm7 =	vlt.s32 v8, v9  }
0x46: {  	v21 =	vld [tilespmem:s31+$0xFFFFFFD0];
	v8 =	vsel vm7, v8, v9  }
0x47: {  	v19 =	vld [tilespmem:s31+$0xFFFFFFE0];
	v9 =	vperm.xlane v8, v6  }
0x48: {  	v18 =	vimm.f32 $-Inf;
	v17 =	vimm.s32 $0x0;
	v11 =	vld [tilespmem:s31+$0xFFFFFFF0]  }
0x49: {  	v20 =	vimm.s32 $0x0;
	v16 =	vimm.s32 $0x0;
	v15 =	vld [tilespmem:s31+$0x0];
	vm7 =	vlt.s32 v8, v9  }
0x4a: {  	v14 =	vimm.f32 $-Inf;
	v13 =	vimm.s32 $0x0;
	v8 =	vsel vm7, v8, v9  }
0x4b: {  	s14 =	simm.s32 $0x7;
	s13 =	simm.s32 $0x3;
	s15 =	simm.s32 $0x458;
	v12 =	vimm.f32 $-Inf;
	v10 =	vimm.f32 $-Inf;
	v9 =	vperm.xlane v8, v7  }
.LBB2_4:
0x4c: {  	v22 =	vld [tilespmem:s15+$0xFFFFFFD0];
	s16 =	sadd.s32 $0xFFFFFFFD, s13;
	vm7 =	vgt.f32 v21, v18;
	v23 =	vmov v19;
	s17 =	smov.u32 s14;
	p0 =	sne.s32 s14, $0x3B  }
.Ltmp1:
0x4d: {  	v19 =	vld [tilespmem:s15+$0xFFFFFFE0];
	v18 =	vsel vm7, v21, v18;
	v13 =	vsel vm7, s16, v13;
	v21 =	vmov v11;
	(pc) =	sbr.rel @p0 .LBB2_4-.Ltmp1, $4  }
0x4e: {  	s16 =	sadd.s32 $0xFFFFFFFE, s13;
	vm7 =	vgt.f32 v23, v14;
	v11 =	vld [tilespmem:s15+$0xFFFFFFF0];
	vm8 =	vgt.f32 v21, v12;
	vm9 =	vgt.f32 v15, v10  }
0x4f: {  	s14 =	sadd.s32 $0x4, s14;
	s18 =	sadd.s32 $0xFFFFFFFF, s13;
	v14 =	vsel vm7, v23, v14;
	v12 =	vsel vm8, v21, v12;
	v10 =	vsel vm9, v15, v10;
	v15 =	vld [tilespmem:s15+$0x0]  }
0x50: {  	v20 =	vsel vm7, s16, v20;
	v16 =	vsel vm8, s18, v16;
	v17 =	vsel vm9, s13, v17;
	s13 =	smov.u32 s17  }
0x51: {  	s15 =	sadd.s32 $0x40, s15;
	v21 =	vmov v22  }
0x52: {  	vm7 =	vgt.f32 v21, v18  }
0x53: {  	v22 =	vld [tilespmem:$0x7A8];
	s14 =	sadd.s32 $0xFFFFFFFD, s13;
	v18 =	vsel vm7, v21, v18  }
0x54: {  	v21 =	vld [tilespmem:$0x7B8];
	v13 =	vsel vm7, s14, v13;
	vm7 =	vgt.f32 v19, v14;
	vm8 =	vgt.f32 v11, v12  }
0x55: {  	s30 =	sadd.s32 $0xFFFFFFFE, s13;
	v14 =	vsel vm7, v19, v14;
	v11 =	vsel vm8, v11, v12;
	vm9 =	vgt.f32 v15, v10  }
0x56: {  	s15 =	sadd.s32 $0xFFFFFFFF, s13;
	v12 =	vsel vm7, s30, v20;
	v13 =	vshll.u32 v13, $0x4;
	v10 =	vsel vm9, v15, v10  }
0x57: {  	v15 =	vsel vm8, s15, v16;
	v16 =	vsel vm9, s13, v17;
	v12 =	vshll.u32 v12, $0x4  }
0x58: {  	v13 =	vor.u32 v0, v13;
	v12 =	vor.u32 v0, v12;
	vm7 =	vgt.f32 v22, v18  }
0x59: {  	v15 =	vshll.u32 v15, $0x4;
	v17 =	vsel vm7, v22, v18;
	vm8 =	vgt.f32 v21, v14  }
0x5a: {  	v13 =	vsel vm7, v1, v13;
	v14 =	vsel vm8, v21, v14;
	v12 =	vsel vm8, v2, v12  }
0x5b: {  	v16 =	vshll.u32 v16, $0x4;
	vm7 =	veq.f32 v14, v17;
	vm8 =	vlt.s32 v12, v13  }
0x5c: {  	vm12 =	vlt.s32 v16, v15;
	vm7 =	vmand vm7, vm8;
	vm8 =	veq.f32 v10, v11  }
0x5d: {  	vm13 =	vgt.f32 v10, v11;
	vm10 =	vgt.f32 v14, v17;
	vm8 =	vmand vm8, vm12  }
0x5e: {  	vm7 =	vmor vm10, vm7;
	vm8 =	vmor vm13, vm8  }
0x5f: {  	v14 =	vsel vm7, v14, v17;
	v15 =	vsel vm8, v16, v15  }
0x60: {  	v12 =	vsel vm7, v12, v13;
	v13 =	vld [tilespmem:$0x7C0];
	v10 =	vsel vm8, v10, v11;
	v11 =	vor.u32 v0, v15  }
0x61: {  	vm7 =	veq.f32 v10, v14;
	vm8 =	vlt.s32 v11, v12  }
0x62: {  	vm14 =	vgt.f32 v10, v14;
	vm7 =	vmand vm7, vm8  }
0x63: {  	vm7 =	vmor vm14, vm7  }
0x64: {  	v10 =	vsel vm7, v10, v14;
	v11 =	vsel vm7, v11, v12  }
0x65: {  	vm7 =	veq.f32 v13, v10;
	vm8 =	vgt.s32 v11, v3  }
0x66: {  	vm15 =	vgt.f32 v13, v10;
	vm7 =	vmand vm7, vm8  }
0x67: {  	vm7 =	vmor vm15, vm7  }
0x68: {  	v10 =	vsel vm7, v13, v10  }
0x69: {  	v12 =	vperm.xlane v10, v4;
	_ =	sdelay $0x1  }
0x6a: {  	v12 =	vmax.f32 v10, v12  }
0x6b: {  	v13 =	vperm.xlane v12, v5;
	_ =	sdelay $0x1  }
0x6c: {  	v12 =	vmax.f32 v12, v13  }
0x6d: {  	v13 =	vperm.xlane v12, v6;
	_ =	sdelay $0x1  }
0x6e: {  	v12 =	vmax.f32 v12, v13  }
0x6f: {  	v13 =	vperm.xlane v12, v7;
	_ =	sdelay $0x1  }
0x70: {  	v12 =	vmax.f32 v12, v13  }
0x71: {  	v11 =	vsel vm7, v3, v11;
	vm7 =	veq.f32 v10, v12  }
0x72: {  	v10 =	vnsel vm7, $0x3E8, v11  }
0x73: {  	v11 =	vperm.xlane v10, v4;
	_ =	sdelay $0x1  }
0x74: {  	vm7 =	vlt.s32 v10, v11  }
0x75: {  	v10 =	vsel vm7, v10, v11  }
0x76: {  	v11 =	vperm.xlane v10, v5;
	_ =	sdelay $0x1  }
0x77: {  	s31 =	simm.s32 $0x800;
	vm7 =	vlt.s32 v10, v11  }
0x78: {  	v23 =	vld [tilespmem:s31+$0xFFFFFFD0];
	v10 =	vsel vm7, v10, v11  }
0x79: {  	v21 =	vld [tilespmem:s31+$0xFFFFFFE0];
	v11 =	vperm.xlane v10, v6  }
0x7a: {  	v20 =	vimm.f32 $-Inf;
	v19 =	vimm.s32 $0x0;
	v13 =	vld [tilespmem:s31+$0xFFFFFFF0]  }
0x7b: {  	v22 =	vimm.s32 $0x0;
	v18 =	vimm.s32 $0x0;
	v17 =	vld [tilespmem:s31+$0x0];
	vm7 =	vlt.s32 v10, v11  }
0x7c: {  	v16 =	vimm.f32 $-Inf;
	v15 =	vimm.s32 $0x0;
	v10 =	vsel vm7, v10, v11  }
0x7d: {  	s14 =	simm.s32 $0x7;
	s13 =	simm.s32 $0x3;
	s15 =	simm.s32 $0x840;
	v14 =	vimm.f32 $-Inf;
	v12 =	vimm.f32 $-Inf;
	v11 =	vperm.xlane v10, v7  }
.LBB2_6:
0x7e: {  	v24 =	vld [tilespmem:s15+$0xFFFFFFD0];
	s16 =	sadd.s32 $0xFFFFFFFD, s13;
	vm7 =	vgt.f32 v23, v20;
	v25 =	vmov v21;
	s17 =	smov.u32 s14;
	p0 =	sne.s32 s14, $0x3B  }
.Ltmp2:
0x7f: {  	v21 =	vld [tilespmem:s15+$0xFFFFFFE0];
	v20 =	vsel vm7, v23, v20;
	v15 =	vsel vm7, s16, v15;
	v23 =	vmov v13;
	(pc) =	sbr.rel @p0 .LBB2_6-.Ltmp2, $4  }
0x80: {  	s16 =	sadd.s32 $0xFFFFFFFE, s13;
	vm7 =	vgt.f32 v25, v16;
	v13 =	vld [tilespmem:s15+$0xFFFFFFF0];
	vm8 =	vgt.f32 v23, v14;
	vm9 =	vgt.f32 v17, v12  }
0x81: {  	s14 =	sadd.s32 $0x4, s14;
	s18 =	sadd.s32 $0xFFFFFFFF, s13;
	v16 =	vsel vm7, v25, v16;
	v14 =	vsel vm8, v23, v14;
	v12 =	vsel vm9, v17, v12;
	v17 =	vld [tilespmem:s15+$0x0]  }
0x82: {  	v22 =	vsel vm7, s16, v22;
	v18 =	vsel vm8, s18, v18;
	v19 =	vsel vm9, s13, v19;
	s13 =	smov.u32 s17  }
0x83: {  	s15 =	sadd.s32 $0x40, s15;
	v23 =	vmov v24  }
0x84: {  	vm7 =	vgt.f32 v23, v20  }
0x85: {  	v24 =	vld [tilespmem:$0xB90];
	s14 =	sadd.s32 $0xFFFFFFFD, s13;
	v20 =	vsel vm7, v23, v20  }
0x86: {  	v23 =	vld [tilespmem:$0xBA0];
	v15 =	vsel vm7, s14, v15;
	vm7 =	vgt.f32 v21, v16;
	vm8 =	vgt.f32 v13, v14  }
0x87: {  	s30 =	sadd.s32 $0xFFFFFFFE, s13;
	v16 =	vsel vm7, v21, v16;
	v13 =	vsel vm8, v13, v14;
	vm9 =	vgt.f32 v17, v12  }
0x88: {  	s15 =	sadd.s32 $0xFFFFFFFF, s13;
	v14 =	vsel vm7, s30, v22;
	v15 =	vshll.u32 v15, $0x4;
	v12 =	vsel vm9, v17, v12  }
0x89: {  	v17 =	vsel vm8, s15, v18;
	v18 =	vsel vm9, s13, v19;
	v14 =	vshll.u32 v14, $0x4  }
0x8a: {  	v15 =	vor.u32 v0, v15;
	v14 =	vor.u32 v0, v14;
	vm7 =	vgt.f32 v24, v20  }
0x8b: {  	v17 =	vshll.u32 v17, $0x4;
	v19 =	vsel vm7, v24, v20;
	vm8 =	vgt.f32 v23, v16  }
0x8c: {  	v15 =	vsel vm7, v1, v15;
	v16 =	vsel vm8, v23, v16;
	v14 =	vsel vm8, v2, v14  }
0x8d: {  	v18 =	vshll.u32 v18, $0x4;
	vm7 =	veq.f32 v16, v19;
	vm8 =	vlt.s32 v14, v15  }
0x8e: {  	vm12 =	vlt.s32 v18, v17;
	vm7 =	vmand vm7, vm8;
	vm8 =	veq.f32 v12, v13  }
0x8f: {  	vm13 =	vgt.f32 v12, v13;
	vm10 =	vgt.f32 v16, v19;
	vm8 =	vmand vm8, vm12  }
0x90: {  	vm7 =	vmor vm10, vm7;
	vm8 =	vmor vm13, vm8  }
0x91: {  	v16 =	vsel vm7, v16, v19;
	v17 =	vsel vm8, v18, v17  }
0x92: {  	v14 =	vsel vm7, v14, v15;
	v15 =	vld [tilespmem:$0xBA8];
	v12 =	vsel vm8, v12, v13;
	v13 =	vor.u32 v0, v17  }
0x93: {  	vm7 =	veq.f32 v12, v16;
	vm8 =	vlt.s32 v13, v14  }
0x94: {  	vm14 =	vgt.f32 v12, v16;
	vm7 =	vmand vm7, vm8  }
0x95: {  	vm7 =	vmor vm14, vm7  }
0x96: {  	v12 =	vsel vm7, v12, v16;
	v13 =	vsel vm7, v13, v14  }
0x97: {  	vm7 =	veq.f32 v15, v12;
	vm8 =	vgt.s32 v13, v3  }
0x98: {  	vm15 =	vgt.f32 v15, v12;
	vm7 =	vmand vm7, vm8  }
0x99: {  	vm7 =	vmor vm15, vm7  }
0x9a: {  	v12 =	vsel vm7, v15, v12  }
0x9b: {  	v14 =	vperm.xlane v12, v4;
	_ =	sdelay $0x1  }
0x9c: {  	v14 =	vmax.f32 v12, v14  }
0x9d: {  	v15 =	vperm.xlane v14, v5;
	_ =	sdelay $0x1  }
0x9e: {  	v14 =	vmax.f32 v14, v15  }
0x9f: {  	v15 =	vperm.xlane v14, v6;
	_ =	sdelay $0x1  }
0xa0: {  	v14 =	vmax.f32 v14, v15  }
0xa1: {  	v15 =	vperm.xlane v14, v7;
	_ =	sdelay $0x1  }
0xa2: {  	v14 =	vmax.f32 v14, v15  }
0xa3: {  	v13 =	vsel vm7, v3, v13;
	vm7 =	veq.f32 v12, v14  }
0xa4: {  	v12 =	vnsel vm7, $0x3E8, v13  }
0xa5: {  	v13 =	vperm.xlane v12, v4;
	_ =	sdelay $0x1  }
0xa6: {  	vm7 =	vlt.s32 v12, v13  }
0xa7: {  	v12 =	vsel vm7, v12, v13  }
0xa8: {  	v13 =	vperm.xlane v12, v5;
	_ =	sdelay $0x1  }
0xa9: {  	s31 =	simm.s32 $0xBE8;
	vm7 =	vlt.s32 v12, v13  }
0xaa: {  	v25 =	vld [tilespmem:s31+$0xFFFFFFD0];
	v12 =	vsel vm7, v12, v13  }
0xab: {  	v23 =	vld [tilespmem:s31+$0xFFFFFFE0];
	v13 =	vperm.xlane v12, v6  }
0xac: {  	v22 =	vimm.f32 $-Inf;
	v21 =	vimm.s32 $0x0;
	v15 =	vld [tilespmem:s31+$0xFFFFFFF0]  }
0xad: {  	v24 =	vimm.s32 $0x0;
	v20 =	vimm.s32 $0x0;
	v19 =	vld [tilespmem:s31+$0x0];
	vm7 =	vlt.s32 v12, v13  }
0xae: {  	v18 =	vimm.f32 $-Inf;
	v17 =	vimm.s32 $0x0;
	v12 =	vsel vm7, v12, v13  }
0xaf: {  	s14 =	simm.s32 $0x7;
	s13 =	simm.s32 $0x3;
	s15 =	simm.s32 $0xC28;
	v16 =	vimm.f32 $-Inf;
	v14 =	vimm.f32 $-Inf;
	v13 =	vperm.xlane v12, v7  }
.LBB2_8:
0xb0: {  	v26 =	vld [tilespmem:s15+$0xFFFFFFD0];
	s16 =	sadd.s32 $0xFFFFFFFD, s13;
	vm7 =	vgt.f32 v25, v22;
	v27 =	vmov v23;
	s17 =	smov.u32 s14;
	p0 =	sne.s32 s14, $0x3B  }
.Ltmp3:
0xb1: {  	v23 =	vld [tilespmem:s15+$0xFFFFFFE0];
	v22 =	vsel vm7, v25, v22;
	v17 =	vsel vm7, s16, v17;
	v25 =	vmov v15;
	(pc) =	sbr.rel @p0 .LBB2_8-.Ltmp3, $4  }
0xb2: {  	s16 =	sadd.s32 $0xFFFFFFFE, s13;
	vm7 =	vgt.f32 v27, v18;
	v15 =	vld [tilespmem:s15+$0xFFFFFFF0];
	vm8 =	vgt.f32 v25, v16;
	vm9 =	vgt.f32 v19, v14  }
0xb3: {  	s14 =	sadd.s32 $0x4, s14;
	s18 =	sadd.s32 $0xFFFFFFFF, s13;
	v18 =	vsel vm7, v27, v18;
	v16 =	vsel vm8, v25, v16;
	v14 =	vsel vm9, v19, v14;
	v19 =	vld [tilespmem:s15+$0x0]  }
0xb4: {  	v24 =	vsel vm7, s16, v24;
	v20 =	vsel vm8, s18, v20;
	v21 =	vsel vm9, s13, v21;
	s13 =	smov.u32 s17  }
0xb5: {  	s15 =	sadd.s32 $0x40, s15;
	v25 =	vmov v26  }
0xb6: {  	vm7 =	vgt.f32 v25, v22  }
0xb7: {  	v26 =	vld [tilespmem:$0xF78];
	s14 =	sadd.s32 $0xFFFFFFFD, s13;
	v22 =	vsel vm7, v25, v22  }
0xb8: {  	v25 =	vld [tilespmem:$0xF88];
	v17 =	vsel vm7, s14, v17;
	vm7 =	vgt.f32 v23, v18;
	vm8 =	vgt.f32 v15, v16  }
0xb9: {  	s30 =	sadd.s32 $0xFFFFFFFE, s13;
	v18 =	vsel vm7, v23, v18;
	v15 =	vsel vm8, v15, v16;
	vm9 =	vgt.f32 v19, v14  }
0xba: {  	s15 =	sadd.s32 $0xFFFFFFFF, s13;
	v16 =	vsel vm7, s30, v24;
	v17 =	vshll.u32 v17, $0x4;
	v14 =	vsel vm9, v19, v14  }
0xbb: {  	v19 =	vsel vm8, s15, v20;
	v20 =	vsel vm9, s13, v21;
	v16 =	vshll.u32 v16, $0x4  }
0xbc: {  	v17 =	vor.u32 v0, v17;
	v16 =	vor.u32 v0, v16;
	vm7 =	vgt.f32 v26, v22  }
0xbd: {  	v19 =	vshll.u32 v19, $0x4;
	v21 =	vsel vm7, v26, v22;
	vm8 =	vgt.f32 v25, v18  }
0xbe: {  	v17 =	vsel vm7, v1, v17;
	v18 =	vsel vm8, v25, v18;
	v16 =	vsel vm8, v2, v16  }
0xbf: {  	v20 =	vshll.u32 v20, $0x4;
	vm7 =	veq.f32 v18, v21;
	vm8 =	vlt.s32 v16, v17  }
0xc0: {  	vm12 =	vlt.s32 v20, v19;
	vm7 =	vmand vm7, vm8;
	vm8 =	veq.f32 v14, v15  }
0xc1: {  	vm13 =	vgt.f32 v14, v15;
	vm10 =	vgt.f32 v18, v21;
	vm8 =	vmand vm8, vm12  }
0xc2: {  	vm7 =	vmor vm10, vm7;
	vm8 =	vmor vm13, vm8  }
0xc3: {  	v18 =	vsel vm7, v18, v21;
	v19 =	vsel vm8, v20, v19  }
0xc4: {  	v16 =	vsel vm7, v16, v17;
	v17 =	vld [tilespmem:$0xF90];
	v14 =	vsel vm8, v14, v15;
	v15 =	vor.u32 v0, v19  }
0xc5: {  	vm7 =	veq.f32 v14, v18;
	vm8 =	vlt.s32 v15, v16  }
0xc6: {  	vm14 =	vgt.f32 v14, v18;
	vm7 =	vmand vm7, vm8  }
0xc7: {  	vm7 =	vmor vm14, vm7  }
0xc8: {  	v14 =	vsel vm7, v14, v18;
	v15 =	vsel vm7, v15, v16  }
0xc9: {  	vm7 =	veq.f32 v17, v14;
	vm8 =	vgt.s32 v15, v3  }
0xca: {  	vm15 =	vgt.f32 v17, v14;
	vm7 =	vmand vm7, vm8  }
0xcb: {  	vm7 =	vmor vm15, vm7  }
0xcc: {  	v14 =	vsel vm7, v17, v14  }
0xcd: {  	v16 =	vperm.xlane v14, v4;
	_ =	sdelay $0x1  }
0xce: {  	v16 =	vmax.f32 v14, v16  }
0xcf: {  	v17 =	vperm.xlane v16, v5;
	_ =	sdelay $0x1  }
0xd0: {  	v16 =	vmax.f32 v16, v17  }
0xd1: {  	v17 =	vperm.xlane v16, v6;
	_ =	sdelay $0x1  }
0xd2: {  	v16 =	vmax.f32 v16, v17  }
0xd3: {  	v17 =	vperm.xlane v16, v7;
	_ =	sdelay $0x1  }
0xd4: {  	v16 =	vmax.f32 v16, v17  }
0xd5: {  	v15 =	vsel vm7, v3, v15;
	vm7 =	veq.f32 v14, v16  }
0xd6: {  	v14 =	vnsel vm7, $0x3E8, v15  }
0xd7: {  	v15 =	vperm.xlane v14, v4;
	_ =	sdelay $0x1  }
0xd8: {  	vm7 =	vlt.s32 v14, v15  }
0xd9: {  	v14 =	vsel vm7, v14, v15  }
0xda: {  	v15 =	vperm.xlane v14, v5;
	_ =	sdelay $0x1  }
0xdb: {  	s31 =	simm.s32 $0xFD0;
	vm7 =	vlt.s32 v14, v15  }
0xdc: {  	v27 =	vld [tilespmem:s31+$0xFFFFFFD0];
	v14 =	vsel vm7, v14, v15  }
0xdd: {  	v25 =	vld [tilespmem:s31+$0xFFFFFFE0];
	v15 =	vperm.xlane v14, v6  }
0xde: {  	v24 =	vimm.f32 $-Inf;
	v23 =	vimm.s32 $0x0;
	v17 =	vld [tilespmem:s31+$0xFFFFFFF0]  }
0xdf: {  	v26 =	vimm.s32 $0x0;
	v22 =	vimm.s32 $0x0;
	v21 =	vld [tilespmem:s31+$0x0];
	vm7 =	vlt.s32 v14, v15  }
0xe0: {  	v20 =	vimm.f32 $-Inf;
	v19 =	vimm.s32 $0x0;
	v14 =	vsel vm7, v14, v15  }
0xe1: {  	s14 =	simm.s32 $0x7;
	s13 =	simm.s32 $0x3;
	s15 =	simm.s32 $0x1010;
	v18 =	vimm.f32 $-Inf;
	v16 =	vimm.f32 $-Inf;
	v15 =	vperm.xlane v14, v7  }
.LBB2_10:
0xe2: {  	v28 =	vld [tilespmem:s15+$0xFFFFFFD0];
	s16 =	sadd.s32 $0xFFFFFFFD, s13;
	vm7 =	vgt.f32 v27, v24;
	v29 =	vmov v25;
	s17 =	smov.u32 s14;
	p0 =	sne.s32 s14, $0x3B  }
.Ltmp4:
0xe3: {  	v25 =	vld [tilespmem:s15+$0xFFFFFFE0];
	v24 =	vsel vm7, v27, v24;
	v19 =	vsel vm7, s16, v19;
	v27 =	vmov v17;
	(pc) =	sbr.rel @p0 .LBB2_10-.Ltmp4, $4  }
0xe4: {  	s16 =	sadd.s32 $0xFFFFFFFE, s13;
	vm7 =	vgt.f32 v29, v20;
	v17 =	vld [tilespmem:s15+$0xFFFFFFF0];
	vm8 =	vgt.f32 v27, v18;
	vm9 =	vgt.f32 v21, v16  }
0xe5: {  	s14 =	sadd.s32 $0x4, s14;
	s18 =	sadd.s32 $0xFFFFFFFF, s13;
	v20 =	vsel vm7, v29, v20;
	v18 =	vsel vm8, v27, v18;
	v16 =	vsel vm9, v21, v16;
	v21 =	vld [tilespmem:s15+$0x0]  }
0xe6: {  	v26 =	vsel vm7, s16, v26;
	v22 =	vsel vm8, s18, v22;
	v23 =	vsel vm9, s13, v23;
	s13 =	smov.u32 s17  }
0xe7: {  	s15 =	sadd.s32 $0x40, s15;
	v27 =	vmov v28  }
0xe8: {  	vm7 =	vgt.f32 v27, v24  }
0xe9: {  	v28 =	vld [tilespmem:$0x1360];
	s14 =	sadd.s32 $0xFFFFFFFD, s13;
	v24 =	vsel vm7, v27, v24  }
0xea: {  	v27 =	vld [tilespmem:$0x1370];
	v19 =	vsel vm7, s14, v19;
	vm7 =	vgt.f32 v25, v20;
	vm8 =	vgt.f32 v17, v18  }
0xeb: {  	s30 =	sadd.s32 $0xFFFFFFFE, s13;
	v20 =	vsel vm7, v25, v20;
	v17 =	vsel vm8, v17, v18;
	vm9 =	vgt.f32 v21, v16  }
0xec: {  	s15 =	sadd.s32 $0xFFFFFFFF, s13;
	v18 =	vsel vm7, s30, v26;
	v19 =	vshll.u32 v19, $0x4;
	v16 =	vsel vm9, v21, v16  }
0xed: {  	v21 =	vsel vm8, s15, v22;
	v22 =	vsel vm9, s13, v23;
	v18 =	vshll.u32 v18, $0x4  }
0xee: {  	v19 =	vor.u32 v0, v19;
	v18 =	vor.u32 v0, v18;
	vm7 =	vgt.f32 v28, v24  }
0xef: {  	v21 =	vshll.u32 v21, $0x4;
	v23 =	vsel vm7, v28, v24;
	vm8 =	vgt.f32 v27, v20  }
0xf0: {  	v19 =	vsel vm7, v1, v19;
	v20 =	vsel vm8, v27, v20;
	v18 =	vsel vm8, v2, v18  }
0xf1: {  	v22 =	vshll.u32 v22, $0x4;
	vm7 =	veq.f32 v20, v23;
	vm8 =	vlt.s32 v18, v19  }
0xf2: {  	vm12 =	vlt.s32 v22, v21;
	vm7 =	vmand vm7, vm8;
	vm8 =	veq.f32 v16, v17  }
0xf3: {  	vm13 =	vgt.f32 v16, v17;
	vm10 =	vgt.f32 v20, v23;
	vm8 =	vmand vm8, vm12  }
0xf4: {  	vm7 =	vmor vm10, vm7;
	vm8 =	vmor vm13, vm8  }
0xf5: {  	v20 =	vsel vm7, v20, v23;
	v21 =	vsel vm8, v22, v21  }
0xf6: {  	v18 =	vsel vm7, v18, v19;
	v19 =	vld [tilespmem:$0x1378];
	v16 =	vsel vm8, v16, v17;
	v17 =	vor.u32 v0, v21  }
0xf7: {  	vm7 =	veq.f32 v16, v20;
	vm8 =	vlt.s32 v17, v18  }
0xf8: {  	vm14 =	vgt.f32 v16, v20;
	vm7 =	vmand vm7, vm8  }
0xf9: {  	vm7 =	vmor vm14, vm7  }
0xfa: {  	v16 =	vsel vm7, v16, v20;
	v17 =	vsel vm7, v17, v18  }
0xfb: {  	vm7 =	veq.f32 v19, v16;
	vm8 =	vgt.s32 v17, v3  }
0xfc: {  	vm15 =	vgt.f32 v19, v16;
	vm7 =	vmand vm7, vm8  }
0xfd: {  	vm7 =	vmor vm15, vm7  }
0xfe: {  	v16 =	vsel vm7, v19, v16  }
0xff: {  	v18 =	vperm.xlane v16, v4;
	_ =	sdelay $0x1  }
0x100: {  	v18 =	vmax.f32 v16, v18  }
0x101: {  	v19 =	vperm.xlane v18, v5;
	_ =	sdelay $0x1  }
0x102: {  	v18 =	vmax.f32 v18, v19  }
0x103: {  	v19 =	vperm.xlane v18, v6;
	_ =	sdelay $0x1  }
0x104: {  	v18 =	vmax.f32 v18, v19  }
0x105: {  	v19 =	vperm.xlane v18, v7;
	_ =	sdelay $0x1  }
0x106: {  	v18 =	vmax.f32 v18, v19  }
0x107: {  	v17 =	vsel vm7, v3, v17;
	vm7 =	veq.f32 v16, v18  }
0x108: {  	v16 =	vnsel vm7, $0x3E8, v17  }
0x109: {  	v17 =	vperm.xlane v16, v4;
	_ =	sdelay $0x1  }
0x10a: {  	vm7 =	vlt.s32 v16, v17  }
0x10b: {  	v16 =	vsel vm7, v16, v17  }
0x10c: {  	v17 =	vperm.xlane v16, v5;
	_ =	sdelay $0x1  }
0x10d: {  	s31 =	simm.s32 $0x13B8;
	vm7 =	vlt.s32 v16, v17  }
0x10e: {  	v29 =	vld [tilespmem:s31+$0xFFFFFFD0];
	v16 =	vsel vm7, v16, v17  }
0x10f: {  	v27 =	vld [tilespmem:s31+$0xFFFFFFE0];
	v17 =	vperm.xlane v16, v6  }
0x110: {  	v26 =	vimm.f32 $-Inf;
	v25 =	vimm.s32 $0x0;
	v19 =	vld [tilespmem:s31+$0xFFFFFFF0]  }
0x111: {  	v28 =	vimm.s32 $0x0;
	v24 =	vimm.s32 $0x0;
	v23 =	vld [tilespmem:s31+$0x0];
	vm7 =	vlt.s32 v16, v17  }
0x112: {  	v22 =	vimm.f32 $-Inf;
	v21 =	vimm.s32 $0x0;
	v16 =	vsel vm7, v16, v17  }
0x113: {  	s14 =	simm.s32 $0x7;
	s13 =	simm.s32 $0x3;
	s15 =	simm.s32 $0x13F8;
	v20 =	vimm.f32 $-Inf;
	v18 =	vimm.f32 $-Inf;
	v17 =	vperm.xlane v16, v7  }
.LBB2_12:
0x114: {  	v30 =	vld [tilespmem:s15+$0xFFFFFFD0];
	s16 =	sadd.s32 $0xFFFFFFFD, s13;
	vm7 =	vgt.f32 v29, v26;
	v31 =	vmov v27;
	s17 =	smov.u32 s14;
	p0 =	sne.s32 s14, $0x3B  }
.Ltmp5:
0x115: {  	v27 =	vld [tilespmem:s15+$0xFFFFFFE0];
	v26 =	vsel vm7, v29, v26;
	v21 =	vsel vm7, s16, v21;
	v29 =	vmov v19;
	(pc) =	sbr.rel @p0 .LBB2_12-.Ltmp5, $4  }
0x116: {  	s16 =	sadd.s32 $0xFFFFFFFE, s13;
	vm7 =	vgt.f32 v31, v22;
	v19 =	vld [tilespmem:s15+$0xFFFFFFF0];
	vm8 =	vgt.f32 v29, v20;
	vm9 =	vgt.f32 v23, v18  }
0x117: {  	s14 =	sadd.s32 $0x4, s14;
	s18 =	sadd.s32 $0xFFFFFFFF, s13;
	v22 =	vsel vm7, v31, v22;
	v20 =	vsel vm8, v29, v20;
	v18 =	vsel vm9, v23, v18;
	v23 =	vld [tilespmem:s15+$0x0]  }
0x118: {  	v28 =	vsel vm7, s16, v28;
	v24 =	vsel vm8, s18, v24;
	v25 =	vsel vm9, s13, v25;
	s13 =	smov.u32 s17  }
0x119: {  	s15 =	sadd.s32 $0x40, s15;
	v29 =	vmov v30  }
0x11a: {  	vm7 =	vgt.f32 v29, v26  }
0x11b: {  	v30 =	vld [tilespmem:$0x1748];
	s14 =	sadd.s32 $0xFFFFFFFD, s13;
	v26 =	vsel vm7, v29, v26  }
0x11c: {  	v29 =	vld [tilespmem:$0x1758];
	v21 =	vsel vm7, s14, v21;
	vm7 =	vgt.f32 v27, v22;
	vm8 =	vgt.f32 v19, v20  }
0x11d: {  	s30 =	sadd.s32 $0xFFFFFFFE, s13;
	v22 =	vsel vm7, v27, v22;
	v19 =	vsel vm8, v19, v20;
	vm9 =	vgt.f32 v23, v18  }
0x11e: {  	s15 =	sadd.s32 $0xFFFFFFFF, s13;
	v20 =	vsel vm7, s30, v28;
	v21 =	vshll.u32 v21, $0x4;
	v18 =	vsel vm9, v23, v18  }
0x11f: {  	v23 =	vsel vm8, s15, v24;
	v24 =	vsel vm9, s13, v25;
	v20 =	vshll.u32 v20, $0x4  }
0x120: {  	v21 =	vor.u32 v0, v21;
	v20 =	vor.u32 v0, v20;
	vm7 =	vgt.f32 v30, v26  }
0x121: {  	v23 =	vshll.u32 v23, $0x4;
	v25 =	vsel vm7, v30, v26;
	vm8 =	vgt.f32 v29, v22  }
0x122: {  	v21 =	vsel vm7, v1, v21;
	v22 =	vsel vm8, v29, v22;
	v20 =	vsel vm8, v2, v20  }
0x123: {  	v24 =	vshll.u32 v24, $0x4;
	vm7 =	veq.f32 v22, v25;
	vm8 =	vlt.s32 v20, v21  }
0x124: {  	vm12 =	vlt.s32 v24, v23;
	vm7 =	vmand vm7, vm8;
	vm8 =	veq.f32 v18, v19  }
0x125: {  	vm13 =	vgt.f32 v18, v19;
	vm10 =	vgt.f32 v22, v25;
	vm8 =	vmand vm8, vm12  }
0x126: {  	vm7 =	vmor vm10, vm7;
	vm8 =	vmor vm13, vm8  }
0x127: {  	v22 =	vsel vm7, v22, v25;
	v23 =	vsel vm8, v24, v23  }
0x128: {  	v20 =	vsel vm7, v20, v21;
	v21 =	vld [tilespmem:$0x1760];
	v18 =	vsel vm8, v18, v19;
	v19 =	vor.u32 v0, v23  }
0x129: {  	vm7 =	veq.f32 v18, v22;
	vm8 =	vlt.s32 v19, v20  }
0x12a: {  	vm14 =	vgt.f32 v18, v22;
	vm7 =	vmand vm7, vm8  }
0x12b: {  	vm7 =	vmor vm14, vm7  }
0x12c: {  	v18 =	vsel vm7, v18, v22;
	v19 =	vsel vm7, v19, v20  }
0x12d: {  	vm7 =	veq.f32 v21, v18;
	vm8 =	vgt.s32 v19, v3  }
0x12e: {  	vm15 =	vgt.f32 v21, v18;
	vm7 =	vmand vm7, vm8  }
0x12f: {  	vm7 =	vmor vm15, vm7  }
0x130: {  	v18 =	vsel vm7, v21, v18  }
0x131: {  	v20 =	vperm.xlane v18, v4;
	_ =	sdelay $0x1  }
0x132: {  	v20 =	vmax.f32 v18, v20  }
0x133: {  	v21 =	vperm.xlane v20, v5;
	_ =	sdelay $0x1  }
0x134: {  	v20 =	vmax.f32 v20, v21  }
0x135: {  	v21 =	vperm.xlane v20, v6;
	_ =	sdelay $0x1  }
0x136: {  	v20 =	vmax.f32 v20, v21  }
0x137: {  	v21 =	vperm.xlane v20, v7;
	_ =	sdelay $0x1  }
0x138: {  	v20 =	vmax.f32 v20, v21  }
0x139: {  	v19 =	vsel vm7, v3, v19;
	vm7 =	veq.f32 v18, v20  }
0x13a: {  	v18 =	vnsel vm7, $0x3E8, v19  }
0x13b: {  	v19 =	vperm.xlane v18, v4;
	_ =	sdelay $0x1  }
0x13c: {  	vm7 =	vlt.s32 v18, v19  }
0x13d: {  	v18 =	vsel vm7, v18, v19  }
0x13e: {  	v19 =	vperm.xlane v18, v5;
	_ =	sdelay $0x1  }
0x13f: {  	s31 =	simm.s32 $0x17A0;
	vm7 =	vlt.s32 v18, v19  }
0x140: {  	v31 =	vld [tilespmem:s31+$0xFFFFFFD0];
	v18 =	vsel vm7, v18, v19  }
0x141: {  	v29 =	vld [tilespmem:s31+$0xFFFFFFE0];
	v19 =	vperm.xlane v18, v6  }
0x142: {  	v28 =	vimm.f32 $-Inf;
	v27 =	vimm.s32 $0x0;
	v21 =	vld [tilespmem:s31+$0xFFFFFFF0]  }
0x143: {  	v30 =	vimm.s32 $0x0;
	v26 =	vimm.s32 $0x0;
	v25 =	vld [tilespmem:s31+$0x0];
	vm7 =	vlt.s32 v18, v19  }
0x144: {  	v24 =	vimm.f32 $-Inf;
	v23 =	vimm.s32 $0x0;
	v18 =	vsel vm7, v18, v19  }
0x145: {  	s14 =	simm.s32 $0x7;
	s13 =	simm.s32 $0x3;
	s15 =	simm.s32 $0x17E0;
	v22 =	vimm.f32 $-Inf;
	v20 =	vimm.f32 $-Inf;
	v19 =	vperm.xlane v18, v7  }
.LBB2_14:
0x146: {  	v32 =	vld [tilespmem:s15+$0xFFFFFFD0];
	s16 =	sadd.s32 $0xFFFFFFFD, s13;
	vm7 =	vgt.f32 v31, v28;
	v33 =	vmov v29;
	s17 =	smov.u32 s14;
	p0 =	sne.s32 s14, $0x3B  }
.Ltmp6:
0x147: {  	v29 =	vld [tilespmem:s15+$0xFFFFFFE0];
	v28 =	vsel vm7, v31, v28;
	v23 =	vsel vm7, s16, v23;
	v31 =	vmov v21;
	(pc) =	sbr.rel @p0 .LBB2_14-.Ltmp6, $4  }
0x148: {  	s16 =	sadd.s32 $0xFFFFFFFE, s13;
	vm7 =	vgt.f32 v33, v24;
	v21 =	vld [tilespmem:s15+$0xFFFFFFF0];
	vm8 =	vgt.f32 v31, v22;
	vm9 =	vgt.f32 v25, v20  }
0x149: {  	s14 =	sadd.s32 $0x4, s14;
	s18 =	sadd.s32 $0xFFFFFFFF, s13;
	v24 =	vsel vm7, v33, v24;
	v22 =	vsel vm8, v31, v22;
	v20 =	vsel vm9, v25, v20;
	v25 =	vld [tilespmem:s15+$0x0]  }
0x14a: {  	v30 =	vsel vm7, s16, v30;
	v26 =	vsel vm8, s18, v26;
	v27 =	vsel vm9, s13, v27;
	s13 =	smov.u32 s17  }
0x14b: {  	s15 =	sadd.s32 $0x40, s15;
	v31 =	vmov v32  }
0x14c: {  	vm7 =	vgt.f32 v31, v28  }
0x14d: {  	v32 =	vld [tilespmem:$0x1B30];
	s14 =	sadd.s32 $0xFFFFFFFD, s13;
	v28 =	vsel vm7, v31, v28  }
0x14e: {  	v31 =	vld [tilespmem:$0x1B40];
	v23 =	vsel vm7, s14, v23;
	vm7 =	vgt.f32 v29, v24;
	vm8 =	vgt.f32 v21, v22  }
0x14f: {  	s30 =	sadd.s32 $0xFFFFFFFE, s13;
	v24 =	vsel vm7, v29, v24;
	v21 =	vsel vm8, v21, v22;
	vm9 =	vgt.f32 v25, v20  }
0x150: {  	s15 =	sadd.s32 $0xFFFFFFFF, s13;
	v22 =	vsel vm7, s30, v30;
	v23 =	vshll.u32 v23, $0x4;
	v20 =	vsel vm9, v25, v20  }
0x151: {  	v25 =	vsel vm8, s15, v26;
	v26 =	vsel vm9, s13, v27;
	v22 =	vshll.u32 v22, $0x4  }
0x152: {  	v23 =	vor.u32 v0, v23;
	v22 =	vor.u32 v0, v22;
	vm7 =	vgt.f32 v32, v28  }
0x153: {  	v25 =	vshll.u32 v25, $0x4;
	v27 =	vsel vm7, v32, v28;
	vm8 =	vgt.f32 v31, v24  }
0x154: {  	v23 =	vsel vm7, v1, v23;
	v24 =	vsel vm8, v31, v24;
	v22 =	vsel vm8, v2, v22  }
0x155: {  	v26 =	vshll.u32 v26, $0x4;
	vm7 =	veq.f32 v24, v27;
	vm8 =	vlt.s32 v22, v23  }
0x156: {  	vm12 =	vlt.s32 v26, v25;
	vm7 =	vmand vm7, vm8;
	vm8 =	veq.f32 v20, v21  }
0x157: {  	vm13 =	vgt.f32 v20, v21;
	vm10 =	vgt.f32 v24, v27;
	vm8 =	vmand vm8, vm12  }
0x158: {  	vm7 =	vmor vm10, vm7;
	vm8 =	vmor vm13, vm8  }
0x159: {  	v24 =	vsel vm7, v24, v27;
	v25 =	vsel vm8, v26, v25  }
0x15a: {  	v22 =	vsel vm7, v22, v23;
	v23 =	vld [tilespmem:$0x1B48];
	v20 =	vsel vm8, v20, v21;
	v21 =	vor.u32 v0, v25  }
0x15b: {  	vm7 =	veq.f32 v20, v24;
	vm8 =	vlt.s32 v21, v22  }
0x15c: {  	vm14 =	vgt.f32 v20, v24;
	vm7 =	vmand vm7, vm8  }
0x15d: {  	vm7 =	vmor vm14, vm7  }
0x15e: {  	v20 =	vsel vm7, v20, v24;
	v21 =	vsel vm7, v21, v22  }
0x15f: {  	vm7 =	veq.f32 v23, v20;
	vm8 =	vgt.s32 v21, v3  }
0x160: {  	vm15 =	vgt.f32 v23, v20;
	vm7 =	vmand vm7, vm8  }
0x161: {  	vm7 =	vmor vm15, vm7  }
0x162: {  	v20 =	vsel vm7, v23, v20  }
0x163: {  	v22 =	vperm.xlane v20, v4;
	_ =	sdelay $0x1  }
0x164: {  	v22 =	vmax.f32 v20, v22  }
0x165: {  	v23 =	vperm.xlane v22, v5;
	_ =	sdelay $0x1  }
0x166: {  	v22 =	vmax.f32 v22, v23  }
0x167: {  	v23 =	vperm.xlane v22, v6;
	_ =	sdelay $0x1  }
0x168: {  	v22 =	vmax.f32 v22, v23  }
0x169: {  	v23 =	vperm.xlane v22, v7;
	_ =	sdelay $0x1  }
0x16a: {  	v22 =	vmax.f32 v22, v23  }
0x16b: {  	v21 =	vsel vm7, v3, v21;
	vm7 =	veq.f32 v20, v22  }
0x16c: {  	v20 =	vnsel vm7, $0x3E8, v21  }
0x16d: {  	v21 =	vperm.xlane v20, v4;
	_ =	sdelay $0x1  }
0x16e: {  	vm7 =	vlt.s32 v20, v21  }
0x16f: {  	v20 =	vsel vm7, v20, v21  }
0x170: {  	v21 =	vperm.xlane v20, v5;
	_ =	sdelay $0x1  }
0x171: {  	s31 =	simm.s32 $0x1B88;
	vm7 =	vlt.s32 v20, v21  }
0x172: {  	v33 =	vld [tilespmem:s31+$0xFFFFFFD0];
	v20 =	vsel vm7, v20, v21  }
0x173: {  	v32 =	vld [tilespmem:s31+$0xFFFFFFE0];
	v21 =	vperm.xlane v20, v6  }
0x174: {  	v30 =	vimm.s32 $0x0;
	v29 =	vimm.s32 $0x0;
	v24 =	vld [tilespmem:s31+$0xFFFFFFF0]  }
0x175: {  	v28 =	vimm.s32 $0x0;
	v31 =	vimm.f32 $-Inf;
	v27 =	vld [tilespmem:s31+$0x0];
	vm7 =	vlt.s32 v20, v21  }
0x176: {  	v26 =	vimm.f32 $-Inf;
	v25 =	vimm.f32 $-Inf;
	v20 =	vsel vm7, v20, v21  }
0x177: {  	s14 =	simm.s32 $0x7;
	s13 =	simm.s32 $0x3;
	s15 =	simm.s32 $0x1BC8;
	v23 =	vimm.f32 $-Inf;
	v22 =	vimm.s32 $0x0;
	v21 =	vperm.xlane v20, v7  }
.LBB2_16:
0x178: {  	v34 =	vld [tilespmem:s15+$0xFFFFFFD0];
	s16 =	sadd.s32 $0xFFFFFFFD, s13;
	vm7 =	vgt.f32 v33, v26;
	v35 =	vmov v32;
	s17 =	smov.u32 s14;
	p0 =	sne.s32 s14, $0x3B  }
.Ltmp7:
0x179: {  	v32 =	vld [tilespmem:s15+$0xFFFFFFE0];
	v26 =	vsel vm7, v33, v26;
	v22 =	vsel vm7, s16, v22;
	v33 =	vmov v24;
	(pc) =	sbr.rel @p0 .LBB2_16-.Ltmp7, $4  }
0x17a: {  	s16 =	sadd.s32 $0xFFFFFFFE, s13;
	vm7 =	vgt.f32 v35, v31;
	v24 =	vld [tilespmem:s15+$0xFFFFFFF0];
	vm8 =	vgt.f32 v33, v25;
	vm9 =	vgt.f32 v27, v23  }
0x17b: {  	s14 =	sadd.s32 $0x4, s14;
	s18 =	sadd.s32 $0xFFFFFFFF, s13;
	v31 =	vsel vm7, v35, v31;
	v25 =	vsel vm8, v33, v25;
	v23 =	vsel vm9, v27, v23;
	v27 =	vld [tilespmem:s15+$0x0]  }
0x17c: {  	v30 =	vsel vm7, s16, v30;
	v28 =	vsel vm8, s18, v28;
	v29 =	vsel vm9, s13, v29;
	s13 =	smov.u32 s17  }
0x17d: {  	s15 =	sadd.s32 $0x40, s15;
	v33 =	vmov v34  }
0x17e: {  	v34 =	vld [tilespmem:$0x1F18];
	vm7 =	vgt.f32 v33, v26;
	vm8 =	vgt.f32 v32, v31  }
0x17f: {  	v35 =	vld [tilespmem:$0x1F28];
	s14 =	sadd.s32 $0xFFFFFFFD, s13;
	s31 =	sadd.s32 $0xFFFFFFFE, s13;
	v26 =	vsel vm7, v33, v26;
	v31 =	vsel vm8, v32, v31;
	vm9 =	vgt.f32 v24, v25  }
0x180: {  	s15 =	sadd.s32 $0xFFFFFFFF, s13;
	v22 =	vsel vm7, s14, v22;
	v44 =	vsel vm8, s31, v30;
	v24 =	vsel vm9, v24, v25  }
0x181: {  	vm7 =	vgt.f32 v27, v23;
	v45 =	vsel vm9, s15, v28;
	v22 =	vshll.u32 v22, $0x4  }
0x182: {  	v25 =	vshll.u32 v44, $0x4;
	v23 =	vsel vm7, v27, v23;
	v46 =	vsel vm7, s13, v29  }
0x183: {  	v22 =	vor.u32 v0, v22;
	v25 =	vor.u32 v0, v25;
	vm8 =	vgt.f32 v34, v26  }
0x184: {  	v27 =	vshll.u32 v45, $0x4;
	vm7 =	vgt.f32 v35, v31;
	v26 =	vsel vm8, v34, v26  }
0x185: {  	v47 =	vsel vm7, v35, v31;
	v22 =	vsel vm8, v1, v22;
	v25 =	vsel vm7, v2, v25  }
0x186: {  	v28 =	vshll.u32 v46, $0x4;
	vm7 =	veq.f32 v47, v26;
	vm8 =	vlt.s32 v25, v22  }
0x187: {  	vm12 =	vlt.s32 v28, v27;
	vm7 =	vmand vm7, vm8;
	vm8 =	veq.f32 v23, v24  }
0x188: {  	vm13 =	vgt.f32 v23, v24;
	vm10 =	vgt.f32 v47, v26;
	vm8 =	vmand vm8, vm12  }
0x189: {  	vm7 =	vmor vm10, vm7;
	vm8 =	vmor vm13, vm8  }
0x18a: {  	v26 =	vsel vm7, v47, v26;
	v27 =	vsel vm8, v28, v27  }
0x18b: {  	v49 =	vld [tilespmem:$0x1F30];
	v22 =	vsel vm7, v25, v22;
	v23 =	vsel vm8, v23, v24;
	v48 =	vor.u32 v0, v27  }
0x18c: {  	vm7 =	veq.f32 v23, v26;
	vm8 =	vlt.s32 v48, v22  }
0x18d: {  	vm14 =	vgt.f32 v23, v26;
	vm7 =	vmand vm7, vm8  }
0x18e: {  	vm7 =	vmor vm14, vm7  }
0x18f: {  	v23 =	vsel vm7, v23, v26;
	v22 =	vsel vm7, v48, v22  }
0x190: {  	vm7 =	veq.f32 v49, v23;
	vm8 =	vgt.s32 v22, v3  }
0x191: {  	vm15 =	vgt.f32 v49, v23;
	vm7 =	vmand vm7, vm8  }
0x192: {  	vm7 =	vmor vm15, vm7  }
0x193: {  	v23 =	vsel vm7, v49, v23  }
0x194: {  	v50 =	vperm.xlane v23, v4;
	_ =	sdelay $0x1  }
0x195: {  	v24 =	vmax.f32 v23, v50  }
0x196: {  	v51 =	vperm.xlane v24, v5;
	_ =	sdelay $0x1  }
0x197: {  	v24 =	vmax.f32 v24, v51  }
0x198: {  	v25 =	vperm.xlane v24, v6;
	_ =	sdelay $0x1  }
0x199: {  	v24 =	vmax.f32 v24, v25  }
0x19a: {  	v25 =	vperm.xlane v24, v7;
	_ =	sdelay $0x1  }
0x19b: {  	v24 =	vmax.f32 v24, v25  }
0x19c: {  	v22 =	vsel vm7, v3, v22;
	vm7 =	veq.f32 v23, v24  }
0x19d: {  	v22 =	vnsel vm7, $0x3E8, v22  }
0x19e: {  	v52 =	vperm.xlane v22, v4;
	_ =	sdelay $0x1  }
0x19f: {  	vm7 =	vlt.s32 v22, v52  }
0x1a0: {  	v22 =	vsel vm7, v22, v52  }
0x1a1: {  	v23 =	vperm.xlane v22, v5  }
0x1a2: {  	vm7 =	vlt.s32 v8, v9  }
0x1a3: {  	v8 =	vsel vm7, v8, v9;
	vm7 =	vmmov $0x1;
	vm8 =	vlt.s32 v22, v23  }
0x1a4: {  	v8 =	vnsel vm7, $0x0, v8;
	vm7 =	vlt.s32 v10, v11;
	v53 =	vsel vm8, v22, v23  }
0x1a5: {  	v10 =	vsel vm7, v10, v11;
	vm7 =	vlt.s32 v12, v13;
	v54 =	vperm.xlane v53, v6  }
0x1a6: {  	v8 =	vsel vm0, v8, v10;
	v55 =	vsel vm7, v12, v13;
	vm7 =	vlt.s32 v14, v15  }
0x1a7: {  	vm8 =	vlt.s32 v16, v17;
	v56 =	vsel vm7, v14, v15;
	vm7 =	vlt.s32 v53, v54  }
0x1a8: {  	v8 =	vsel vm1, v8, v55;
	v57 =	vsel vm8, v16, v17;
	v9 =	vsel vm7, v53, v54  }
0x1a9: {  	v8 =	vsel vm2, v8, v56;
	vm7 =	vlt.s32 v18, v19;
	v11 =	vperm.xlane v9, v7  }
0x1aa: {  	v8 =	vsel vm3, v8, v57;
	v58 =	vsel vm7, v18, v19;
	vm7 =	vlt.s32 v20, v21  }
0x1ab: {  	v8 =	vsel vm4, v8, v58;
	v59 =	vsel vm7, v20, v21;
	vm7 =	vlt.s32 v9, v11  }
0x1ac: {  	v8 =	vsel vm5, v8, v59;
	v9 =	vsel vm7, v9, v11  }
0x1ad: {  	v8 =	vsel vm6, v8, v9  }
0x1ae: {  	[tilespmem:$0x1F80] =	vst v8  }
0x1af: {  	v8 =	vld.msk [tilespmem:$0x1F80], $0xff;
	_ =	sdelay $0x4  }
0x1b0: {  	v60 =	vshll.u32 v8, $0x2  }
0x1b1: {  	v8 =	vand.u32 $0x7, v8;
	v9 =	vand.u32 $0xFFFFFFE0, v60  }
0x1b2: {  	v61 =	vand.u32 $0x7, v0;
	v62 =	vshrl.u32 v0, $0x3;
	v8 =	vor.u32 v8, v9  }
0x1b3: {  	v63 =	vmul.u32 $0x8, v62;
	v8 =	vperm.xlane v8, v61;
	_ =	sdelay $0x1  }
0x1b4: {  	v8 =	vadd.s32 v63, v8;
	_ =	sdelay $0x3  }
0x1b5: {  	vm7 =	vmmov $0xffff  }
0x1b6: {  	[tilespmem:s9], [sflag:$0x1] =	stream.indirect_vreg.gather [hbm4b:s2+s3], $0x80, v8, vm7, $0xb8;
	[tilespmem:$0x3000] =	vst v63  }
0x1b7: {  	_ = 	snop  }
0x1b8: {  	[tilespmem:s10], [sflag:$0x1] =	stream.indirect_vreg.gather [hbm4b:s5+s3], $0x80, v8, vm7, $0xb8;
	[tilespmem:$0x3000] =	vst v63  }
0x1b9: {  	s12 =	sadd.s32 $0x1, s12;
	_ =	swait.ge [sflag:s11], $0x1000  }
0x1ba: {  	p0 =	sne.s32 s12, s7;
	[sflag:s11] =	ssyncset.done $0x0  }
.Ltmp8:
0x1bb: {  	[sflag:s11] =	ssyncadd.s32 $0xFFFFF000;
	(pc) =	sbr.rel @p0 .LBB2_1-.Ltmp8, $4  }
0x1bc: {  	[hbm4b:s6+s3] =	stream.linear.scatter [tilespmem:s9], [sflag:$0x2], $0x1000, $0x38;
	[tilespmem:$0x3000] =	vst v63  }
0x1bd: {  	_ =	swait.ge [sflag:s8], $0x1000  }
0x1be: {  	[sflag:s8] =	ssyncset.done $0x0  }
0x1bf: {  	[sflag:s8] =	ssyncadd.s32 $0xFFFFF000  }
0x1c0: {  	_ =	sfence.sel $0x180000  }
0x1c1: {  	[bflag:$0x0] =	sbarrier.arrive $0xFFFF  }
0x1c2: {  	p0 =	sne.s32 s0, $0x0;
	_ =	strace $0x90000047  }
0x1c3: {  	s0 =	sadd.s32 @!p0 $0x100000, s1;
	[bflag:$0x2] =	sbarrier.arrive $0xFFFF  }
0x1c4: {  	[sflag:s0] =	ssyncadd.tile.s32 @!p0 $0x1;
	_ =	shalt  }
.Lfunc_end2:
_tile_overlayer_lowered:
.L_overlay_start_2:
0x1c5: {  	(tag) =	ssettag $0x2  }
0x1c6: {  	s0 =	rddreg [dreg:$0x0];
	s2 =	stileid.u32  }
0x1c7: {  	s1 =	rddreg [dreg:$0x1];
	p0 =	sne.s32 s2, $0x0  }
0x1c8: {  	s3 =	rddreg [dreg:$0x2];
	[bflag:$0x3] =	sbarrier.arrive $0xFFFF;
	s2 =	simm.s32 @!p0 $0x1C02  }
0x1c9: {  	[timem:s3], [sflag:s2] =	dma.local @!p0 [hbm:s0], s1  }
0x1ca: {  	s0 =	simm.s32 @!p0 $0x2  }
0x1cb: {  	_ =	swait.ge @!p0 [sflag:s0], s1  }
0x1cc: {  	s1 =	ssub.s32 @!p0 $0x0, s1;
	[sflag:s0] =	ssyncset.done @!p0 $0x0  }
0x1cd: {  	[sflag:s0] =	ssyncadd.s32 @!p0 s1  }
0x1ce: {  	[bflag:$0x3] =	sbarrier.arrive $0xFFFF  }
0x1cf: {  	_ =	shalt  }

</sc_bundles>
